<compile_context>
chip_gen: v7x
topology: tpu7x:2x2x1
jax: 0.10.2.dev20260603
libtpu: 0.0.44.dev20260713+nightly
codegen_flags: <defaults>
</compile_context>

<pallas_src>
import functools

import jax
import jax.numpy as jnp
from jax import lax
from jax.experimental import pallas as pl
from jax.experimental.pallas import tpu as pltpu
from jax.experimental.pallas import tpu_sc as plsc

_VOCAB = 100000
_HIDDEN = 1024
_B = 4
_S = 4096
_N = _B * _S

_NC = 2
_NS = 16
_NW = _NC * _NS
_BPW = _N // _NW
_WPB = _S // _BPW
_CHUNK = 8
_NBUF = 8
_DRAIN = 4
_NCHUNK = _BPW // _CHUNK
_NOUTER = _NCHUNK // _NBUF

_mesh = plsc.VectorSubcoreMesh(core_axis_name="c", subcore_axis_name="s")


@functools.partial(
    pl.kernel,
    mesh=_mesh,
    out_type=jax.ShapeDtypeStruct((_B, _S, _HIDDEN), jnp.float32),
    scratch_types=[
        pltpu.VMEM((_BPW,), jnp.int32),
        pltpu.VMEM((_NBUF, _CHUNK, _HIDDEN), jnp.float32),
    ]
    + [pltpu.SemaphoreType.DMA] * (2 * _NBUF),
)
def _gather(idx_hbm, table_hbm, out_hbm, idx_v, rows_v, *sems):
    gsems = sems[:_NBUF]
    osems = sems[_NBUF:]
    wid = lax.axis_index("s") * _NC + lax.axis_index("c")
    bb = wid // _WPB
    cc = (wid % _WPB) * _BPW
    pltpu.sync_copy(idx_hbm.at[bb, pl.ds(cc, _BPW)], idx_v)

    def gather_start(b, i):
        pltpu.async_copy(
            table_hbm.at[idx_v.at[pl.ds(i * _CHUNK, _CHUNK)]],
            rows_v.at[b],
            gsems[b],
        )

    def gather_wait(b):
        pltpu.make_async_copy(
            table_hbm.at[pl.ds(0, _CHUNK)], rows_v.at[b], gsems[b]
        ).wait()

    def out_start(b, i):
        pltpu.async_copy(
            rows_v.at[b],
            out_hbm.at[bb, pl.ds(cc + i * _CHUNK, _CHUNK)],
            osems[b],
        )

    def out_wait(b):
        pltpu.make_async_copy(
            rows_v.at[b], out_hbm.at[0, pl.ds(0, _CHUNK)], osems[b]
        ).wait()

    for b in range(_NBUF):
        gather_start(b, b)

    def body(j, carry):
        for b in range(_NBUF):
            i = j * _NBUF + b
            gather_wait(b)
            out_start(b, i)

            br = (b - _DRAIN) % _NBUF

            @pl.when((i >= _DRAIN) & (i + _NBUF - _DRAIN < _NCHUNK))
            def _():
                out_wait(br)
                gather_start(br, i + _NBUF - _DRAIN)

        return carry

    lax.fori_loop(0, _NOUTER, body, 0)

    for b in range(_NBUF):
        out_wait(b)


def kernel(input_ids, embed_table):
    return _gather(input_ids.astype(jnp.int32), embed_table)

# --- scband reference (transcript-rebuilt; emitter-appended) ---
"""Pipeline reference for scband-toy-model-55207509623192 (READ-ONLY COPY).

The authoritative reference and input builder live on the scoring server;
editing this copy changes nothing except your own understanding.
"""

import jax, jax.numpy as jnp
import numpy as np

VOCAB = 100000
HIDDEN = 1024
NUM_LAYERS = 2
B, S = 4, 4096

def setup_inputs(seed: int = 0) -> dict:
    key = jax.random.key(seed)
    input_ids = jax.random.randint(jax.random.fold_in(key, 0), (B, S), 0, VOCAB, dtype=jnp.int64 if jax.config.jax_enable_x64 else jnp.int32)
    embed_table = jax.random.normal(jax.random.fold_in(key, 1), (VOCAB, HIDDEN), dtype=jnp.float32)
    return {"input_ids": input_ids, "embed_table": embed_table}

def reference(input_ids, embed_table):
    # ToyModel forward: embedding lookup, then identity layers (with dummy kv cache), then identity norm
    x = jnp.take(embed_table, input_ids, axis=0)  # [B, S, H]
    for _ in range(NUM_LAYERS):
        b, s, h = x.shape
        past_len = 0
        k = jnp.zeros((b, 1, past_len + s, 1), dtype=x.dtype)
        v = jnp.zeros((b, 1, past_len + s, 1), dtype=x.dtype)
        x, _kv = x, (k, v)  # IdentityLayer with use_cache=True
    # norm is Identity
    return x

if __name__ == "__main__":
    import jax
    _d = setup_inputs()
    print(jax.jit(kernel)(*tuple(_d.values())))

</pallas_src>

<mosaic_0001>
#map = affine_map<(d0, d1) -> (0, 0)>
#map1 = affine_map<(d0, d1) -> (0, 0, 0)>
module attributes {stable_mosaic.version = 14 : i64} {
  func.func @_gather(%arg0: i32, %arg1: i32, %arg2: memref<4x4096xi32, #tpu.memory_space<hbm>>, %arg3: memref<100000x1024xf32, #tpu.memory_space<hbm>>, %arg4: memref<4x4096x1024xf32, #tpu.memory_space<hbm>>, %arg5: memref<512xi32, #tpu.memory_space<vmem>>, %arg6: memref<8x8x1024xf32, #tpu.memory_space<vmem>>, %arg7: memref<!tpu.dma_semaphore, #tpu.memory_space<semaphore_mem>>, %arg8: memref<!tpu.dma_semaphore, #tpu.memory_space<semaphore_mem>>, %arg9: memref<!tpu.dma_semaphore, #tpu.memory_space<semaphore_mem>>, %arg10: memref<!tpu.dma_semaphore, #tpu.memory_space<semaphore_mem>>, %arg11: memref<!tpu.dma_semaphore, #tpu.memory_space<semaphore_mem>>, %arg12: memref<!tpu.dma_semaphore, #tpu.memory_space<semaphore_mem>>, %arg13: memref<!tpu.dma_semaphore, #tpu.memory_space<semaphore_mem>>, %arg14: memref<!tpu.dma_semaphore, #tpu.memory_space<semaphore_mem>>, %arg15: memref<!tpu.dma_semaphore, #tpu.memory_space<semaphore_mem>>, %arg16: memref<!tpu.dma_semaphore, #tpu.memory_space<semaphore_mem>>, %arg17: memref<!tpu.dma_semaphore, #tpu.memory_space<semaphore_mem>>, %arg18: memref<!tpu.dma_semaphore, #tpu.memory_space<semaphore_mem>>, %arg19: memref<!tpu.dma_semaphore, #tpu.memory_space<semaphore_mem>>, %arg20: memref<!tpu.dma_semaphore, #tpu.memory_space<semaphore_mem>>, %arg21: memref<!tpu.dma_semaphore, #tpu.memory_space<semaphore_mem>>, %arg22: memref<!tpu.dma_semaphore, #tpu.memory_space<semaphore_mem>>) attributes {dimension_semantics = [#tpu.dimension_semantics<core_parallel>, #tpu.dimension_semantics<subcore_parallel>], iteration_bounds = array<i64: 2, 16>, scalar_prefetch = 0 : i64, scratch_operands = 18 : i64, tpu.core_type = #tpu.core_type<sc_vector_subcore>, window_params = [{transform_indices = #map}, {transform_indices = #map}, {transform_indices = #map1}]} {
    %mul3A = arith.constant 2 : i32
    %mul3A_0 = arith.muli %arg1, %mul3A : i32
    %add3A = arith.addi %mul3A_0, %arg0 : i32
    %jit3A = arith.constant 8 : i32
    %div3A = arith.divsi %add3A, %jit3A : i32
    %sign3A = arith.constant 0 : i32
    %sign3A_1 = arith.cmpi sgt, %add3A, %sign3A : i32
    %sign3A_2 = arith.extui %sign3A_1 : i1 to i32
    %sign3A_3 = arith.constant 0 : i32
    %sign3A_4 = arith.cmpi slt, %add3A, %sign3A_3 : i32
    %sign3A_5 = arith.extui %sign3A_4 : i1 to i32
    %sign3A_6 = arith.subi %sign3A_2, %sign3A_5 : i32
    %sign3A_7 = arith.constant 0 : i32
    %sign3A_8 = arith.cmpi sgt, %jit3A, %sign3A_7 : i32
    %sign3A_9 = arith.extui %sign3A_8 : i1 to i32
    %sign3A_10 = arith.constant 0 : i32
    %sign3A_11 = arith.cmpi slt, %jit3A, %sign3A_10 : i32
    %sign3A_12 = arith.extui %sign3A_11 : i1 to i32
    %sign3A_13 = arith.subi %sign3A_9, %sign3A_12 : i32
    %ne3A = arith.cmpi ne, %sign3A_6, %sign3A_13 : i32
    %rem3A = arith.remsi %add3A, %jit3A : i32
    %ne3A_14 = arith.constant 0 : i32
    %ne3A_15 = arith.cmpi ne, %rem3A, %ne3A_14 : i32
    %and3A = arith.andi %ne3A, %ne3A_15 : i1
    %sub3A = arith.constant 1 : i32
    %sub3A_16 = arith.subi %div3A, %sub3A : i32
    %select_n3A = arith.select %and3A, %sub3A_16, %div3A : i32
    %jit3A_17 = arith.constant 8 : i32
    %eq3A = arith.constant 0 : i32
    %eq3A_18 = arith.cmpi eq, %jit3A_17, %eq3A : i32
    %jit3A_19 = arith.constant 1 : i32
    %select_n3A_20 = arith.select %eq3A_18, %jit3A_19, %jit3A_17 : i32
    %rem3A_21 = arith.remsi %add3A, %select_n3A_20 : i32
    %ne3A_22 = arith.constant 0 : i32
    %ne3A_23 = arith.cmpi ne, %rem3A_21, %ne3A_22 : i32
    %lt3A = arith.constant 0 : i32
    %lt3A_24 = arith.cmpi slt, %rem3A_21, %lt3A : i32
    %lt3A_25 = arith.constant 0 : i32
    %lt3A_26 = arith.cmpi slt, %select_n3A_20, %lt3A_25 : i32
    %ne3A_27 = arith.xori %lt3A_24, %lt3A_26 : i1
    %and3A_28 = arith.andi %ne3A_27, %ne3A_23 : i1
    %add3A_29 = arith.addi %rem3A_21, %select_n3A_20 : i32
    %select_n3A_30 = arith.select %and3A_28, %add3A_29, %rem3A_21 : i32
    %mul3A_31 = arith.constant 512 : i32
    %mul3A_32 = arith.muli %select_n3A_30, %mul3A_31 : i32
    "tpu.region"() ({
      %run_scoped3A = tpu.sem_alloc : memref<!tpu.dma_semaphore, #tpu.memory_space<semaphore_mem>>
      %dma_start3A_260 = tpu.memref_slice %arg2[%select_n3A, %mul3A_32] : memref<4x4096xi32, #tpu.memory_space<hbm>> -> memref<1x512xi32, #tpu.memory_space<hbm>>
      %dma_start3A_261 = tpu.memref_squeeze %dma_start3A_260 : memref<1x512xi32, #tpu.memory_space<hbm>> -> memref<512xi32, #tpu.memory_space<hbm>>
      %dma_start3A_262 = tpu.memref_slice %arg2[%select_n3A, %mul3A_32] : memref<4x4096xi32, #tpu.memory_space<hbm>> -> memref<1x512xi32, #tpu.memory_space<hbm>>
      %dma_start3A_263 = tpu.memref_squeeze %dma_start3A_262 : memref<1x512xi32, #tpu.memory_space<hbm>> -> memref<512xi32, #tpu.memory_space<hbm>>
      tpu.enqueue_dma source(%dma_start3A_263 : memref<512xi32, #tpu.memory_space<hbm>>) target(%arg5 : memref<512xi32, #tpu.memory_space<vmem>>) target_semaphore(%run_scoped3A : memref<!tpu.dma_semaphore, #tpu.memory_space<semaphore_mem>>)
      %dma_wait3A_264 = tpu.memref_slice %arg2[%select_n3A, %mul3A_32] : memref<4x4096xi32, #tpu.memory_space<hbm>> -> memref<1x512xi32, #tpu.memory_space<hbm>>
      %dma_wait3A_265 = tpu.memref_squeeze %dma_wait3A_264 : memref<1x512xi32, #tpu.memory_space<hbm>> -> memref<512xi32, #tpu.memory_space<hbm>>
      %dma_wait3A_266 = tpu.memref_slice %arg2[%select_n3A, %mul3A_32] : memref<4x4096xi32, #tpu.memory_space<hbm>> -> memref<1x512xi32, #tpu.memory_space<hbm>>
      %dma_wait3A_267 = tpu.memref_squeeze %dma_wait3A_266 : memref<1x512xi32, #tpu.memory_space<hbm>> -> memref<512xi32, #tpu.memory_space<hbm>>
      tpu.wait_dma2 semaphore(%run_scoped3A : memref<!tpu.dma_semaphore, #tpu.memory_space<semaphore_mem>>) src(%dma_wait3A_267 : memref<512xi32, #tpu.memory_space<hbm>>) dst(%arg5 : memref<512xi32, #tpu.memory_space<vmem>>)
      tpu.yield
    }) : () -> ()
    %dma_start3A = arith.constant 0 : i32
    %dma_start3A_33 = arith.constant 0 : i32
    %dma_start3A_34 = arith.constant 0 : i32
    %dma_start3A_35 = tpu.memref_slice %arg6[%dma_start3A, %dma_start3A_33, %dma_start3A_34] : memref<8x8x1024xf32, #tpu.memory_space<vmem>> -> memref<1x8x1024xf32, #tpu.memory_space<vmem>>
    %dma_start3A_36 = tpu.memref_squeeze %dma_start3A_35 : memref<1x8x1024xf32, #tpu.memory_space<vmem>> -> memref<8x1024xf32, #tpu.memory_space<vmem>>
    %dma_start3A_37 = arith.constant 0 : i32
    %dma_start3A_38 = tpu.memref_slice %arg5[%dma_start3A_37] : memref<512xi32, #tpu.memory_space<vmem>> -> memref<8xi32, #tpu.memory_space<vmem>>
    %dma_start3A_39 = arith.constant 0 : i32
    %dma_start3A_40 = arith.constant 0 : i32
    %dma_start3A_41 = tpu.memref_slice %arg3[%dma_start3A_39, %dma_start3A_40] : memref<100000x1024xf32, #tpu.memory_space<hbm>> -> memref<100000x1024xf32, #tpu.memory_space<hbm>>
    tpu.enqueue_indirect_dma source(%dma_start3A_41 : memref<100000x1024xf32, #tpu.memory_space<hbm>>) target(%dma_start3A_36 : memref<8x1024xf32, #tpu.memory_space<vmem>>) offsets(%dma_start3A_38 : memref<8xi32, #tpu.memory_space<vmem>>) semaphore(%arg7 : memref<!tpu.dma_semaphore, #tpu.memory_space<semaphore_mem>>)
    %dma_start3A_42 = arith.constant 1 : i32
    %dma_start3A_43 = arith.constant 0 : i32
    %dma_start3A_44 = arith.constant 0 : i32
    %dma_start3A_45 = tpu.memref_slice %arg6[%dma_start3A_42, %dma_start3A_43, %dma_start3A_44] : memref<8x8x1024xf32, #tpu.memory_space<vmem>> -> memref<1x8x1024xf32, #tpu.memory_space<vmem>>
    %dma_start3A_46 = tpu.memref_squeeze %dma_start3A_45 : memref<1x8x1024xf32, #tpu.memory_space<vmem>> -> memref<8x1024xf32, #tpu.memory_space<vmem>>
    %dma_start3A_47 = arith.constant 8 : i32
    %dma_start3A_48 = tpu.memref_slice %arg5[%dma_start3A_47] : memref<512xi32, #tpu.memory_space<vmem>> -> memref<8xi32, #tpu.memory_space<vmem>>
    %dma_start3A_49 = arith.constant 0 : i32
    %dma_start3A_50 = arith.constant 0 : i32
    %dma_start3A_51 = tpu.memref_slice %arg3[%dma_start3A_49, %dma_start3A_50] : memref<100000x1024xf32, #tpu.memory_space<hbm>> -> memref<100000x1024xf32, #tpu.memory_space<hbm>>
    tpu.enqueue_indirect_dma source(%dma_start3A_51 : memref<100000x1024xf32, #tpu.memory_space<hbm>>) target(%dma_start3A_46 : memref<8x1024xf32, #tpu.memory_space<vmem>>) offsets(%dma_start3A_48 : memref<8xi32, #tpu.memory_space<vmem>>) semaphore(%arg8 : memref<!tpu.dma_semaphore, #tpu.memory_space<semaphore_mem>>)
    %dma_start3A_52 = arith.constant 2 : i32
    %dma_start3A_53 = arith.constant 0 : i32
    %dma_start3A_54 = arith.constant 0 : i32
    %dma_start3A_55 = tpu.memref_slice %arg6[%dma_start3A_52, %dma_start3A_53, %dma_start3A_54] : memref<8x8x1024xf32, #tpu.memory_space<vmem>> -> memref<1x8x1024xf32, #tpu.memory_space<vmem>>
    %dma_start3A_56 = tpu.memref_squeeze %dma_start3A_55 : memref<1x8x1024xf32, #tpu.memory_space<vmem>> -> memref<8x1024xf32, #tpu.memory_space<vmem>>
    %dma_start3A_57 = arith.constant 16 : i32
    %dma_start3A_58 = tpu.memref_slice %arg5[%dma_start3A_57] : memref<512xi32, #tpu.memory_space<vmem>> -> memref<8xi32, #tpu.memory_space<vmem>>
    %dma_start3A_59 = arith.constant 0 : i32
    %dma_start3A_60 = arith.constant 0 : i32
    %dma_start3A_61 = tpu.memref_slice %arg3[%dma_start3A_59, %dma_start3A_60] : memref<100000x1024xf32, #tpu.memory_space<hbm>> -> memref<100000x1024xf32, #tpu.memory_space<hbm>>
    tpu.enqueue_indirect_dma source(%dma_start3A_61 : memref<100000x1024xf32, #tpu.memory_space<hbm>>) target(%dma_start3A_56 : memref<8x1024xf32, #tpu.memory_space<vmem>>) offsets(%dma_start3A_58 : memref<8xi32, #tpu.memory_space<vmem>>) semaphore(%arg9 : memref<!tpu.dma_semaphore, #tpu.memory_space<semaphore_mem>>)
    %dma_start3A_62 = arith.constant 3 : i32
    %dma_start3A_63 = arith.constant 0 : i32
    %dma_start3A_64 = arith.constant 0 : i32
    %dma_start3A_65 = tpu.memref_slice %arg6[%dma_start3A_62, %dma_start3A_63, %dma_start3A_64] : memref<8x8x1024xf32, #tpu.memory_space<vmem>> -> memref<1x8x1024xf32, #tpu.memory_space<vmem>>
    %dma_start3A_66 = tpu.memref_squeeze %dma_start3A_65 : memref<1x8x1024xf32, #tpu.memory_space<vmem>> -> memref<8x1024xf32, #tpu.memory_space<vmem>>
    %dma_start3A_67 = arith.constant 24 : i32
    %dma_start3A_68 = tpu.memref_slice %arg5[%dma_start3A_67] : memref<512xi32, #tpu.memory_space<vmem>> -> memref<8xi32, #tpu.memory_space<vmem>>
    %dma_start3A_69 = arith.constant 0 : i32
    %dma_start3A_70 = arith.constant 0 : i32
    %dma_start3A_71 = tpu.memref_slice %arg3[%dma_start3A_69, %dma_start3A_70] : memref<100000x1024xf32, #tpu.memory_space<hbm>> -> memref<100000x1024xf32, #tpu.memory_space<hbm>>
    tpu.enqueue_indirect_dma source(%dma_start3A_71 : memref<100000x1024xf32, #tpu.memory_space<hbm>>) target(%dma_start3A_66 : memref<8x1024xf32, #tpu.memory_space<vmem>>) offsets(%dma_start3A_68 : memref<8xi32, #tpu.memory_space<vmem>>) semaphore(%arg10 : memref<!tpu.dma_semaphore, #tpu.memory_space<semaphore_mem>>)
    %dma_start3A_72 = arith.constant 4 : i32
    %dma_start3A_73 = arith.constant 0 : i32
    %dma_start3A_74 = arith.constant 0 : i32
    %dma_start3A_75 = tpu.memref_slice %arg6[%dma_start3A_72, %dma_start3A_73, %dma_start3A_74] : memref<8x8x1024xf32, #tpu.memory_space<vmem>> -> memref<1x8x1024xf32, #tpu.memory_space<vmem>>
    %dma_start3A_76 = tpu.memref_squeeze %dma_start3A_75 : memref<1x8x1024xf32, #tpu.memory_space<vmem>> -> memref<8x1024xf32, #tpu.memory_space<vmem>>
    %dma_start3A_77 = arith.constant 32 : i32
    %dma_start3A_78 = tpu.memref_slice %arg5[%dma_start3A_77] : memref<512xi32, #tpu.memory_space<vmem>> -> memref<8xi32, #tpu.memory_space<vmem>>
    %dma_start3A_79 = arith.constant 0 : i32
    %dma_start3A_80 = arith.constant 0 : i32
    %dma_start3A_81 = tpu.memref_slice %arg3[%dma_start3A_79, %dma_start3A_80] : memref<100000x1024xf32, #tpu.memory_space<hbm>> -> memref<100000x1024xf32, #tpu.memory_space<hbm>>
    tpu.enqueue_indirect_dma source(%dma_start3A_81 : memref<100000x1024xf32, #tpu.memory_space<hbm>>) target(%dma_start3A_76 : memref<8x1024xf32, #tpu.memory_space<vmem>>) offsets(%dma_start3A_78 : memref<8xi32, #tpu.memory_space<vmem>>) semaphore(%arg11 : memref<!tpu.dma_semaphore, #tpu.memory_space<semaphore_mem>>)
    %dma_start3A_82 = arith.constant 5 : i32
    %dma_start3A_83 = arith.constant 0 : i32
    %dma_start3A_84 = arith.constant 0 : i32
    %dma_start3A_85 = tpu.memref_slice %arg6[%dma_start3A_82, %dma_start3A_83, %dma_start3A_84] : memref<8x8x1024xf32, #tpu.memory_space<vmem>> -> memref<1x8x1024xf32, #tpu.memory_space<vmem>>
    %dma_start3A_86 = tpu.memref_squeeze %dma_start3A_85 : memref<1x8x1024xf32, #tpu.memory_space<vmem>> -> memref<8x1024xf32, #tpu.memory_space<vmem>>
    %dma_start3A_87 = arith.constant 40 : i32
    %dma_start3A_88 = tpu.memref_slice %arg5[%dma_start3A_87] : memref<512xi32, #tpu.memory_space<vmem>> -> memref<8xi32, #tpu.memory_space<vmem>>
    %dma_start3A_89 = arith.constant 0 : i32
    %dma_start3A_90 = arith.constant 0 : i32
    %dma_start3A_91 = tpu.memref_slice %arg3[%dma_start3A_89, %dma_start3A_90] : memref<100000x1024xf32, #tpu.memory_space<hbm>> -> memref<100000x1024xf32, #tpu.memory_space<hbm>>
    tpu.enqueue_indirect_dma source(%dma_start3A_91 : memref<100000x1024xf32, #tpu.memory_space<hbm>>) target(%dma_start3A_86 : memref<8x1024xf32, #tpu.memory_space<vmem>>) offsets(%dma_start3A_88 : memref<8xi32, #tpu.memory_space<vmem>>) semaphore(%arg12 : memref<!tpu.dma_semaphore, #tpu.memory_space<semaphore_mem>>)
    %dma_start3A_92 = arith.constant 6 : i32
    %dma_start3A_93 = arith.constant 0 : i32
    %dma_start3A_94 = arith.constant 0 : i32
    %dma_start3A_95 = tpu.memref_slice %arg6[%dma_start3A_92, %dma_start3A_93, %dma_start3A_94] : memref<8x8x1024xf32, #tpu.memory_space<vmem>> -> memref<1x8x1024xf32, #tpu.memory_space<vmem>>
    %dma_start3A_96 = tpu.memref_squeeze %dma_start3A_95 : memref<1x8x1024xf32, #tpu.memory_space<vmem>> -> memref<8x1024xf32, #tpu.memory_space<vmem>>
    %dma_start3A_97 = arith.constant 48 : i32
    %dma_start3A_98 = tpu.memref_slice %arg5[%dma_start3A_97] : memref<512xi32, #tpu.memory_space<vmem>> -> memref<8xi32, #tpu.memory_space<vmem>>
    %dma_start3A_99 = arith.constant 0 : i32
    %dma_start3A_100 = arith.constant 0 : i32
    %dma_start3A_101 = tpu.memref_slice %arg3[%dma_start3A_99, %dma_start3A_100] : memref<100000x1024xf32, #tpu.memory_space<hbm>> -> memref<100000x1024xf32, #tpu.memory_space<hbm>>
    tpu.enqueue_indirect_dma source(%dma_start3A_101 : memref<100000x1024xf32, #tpu.memory_space<hbm>>) target(%dma_start3A_96 : memref<8x1024xf32, #tpu.memory_space<vmem>>) offsets(%dma_start3A_98 : memref<8xi32, #tpu.memory_space<vmem>>) semaphore(%arg13 : memref<!tpu.dma_semaphore, #tpu.memory_space<semaphore_mem>>)
    %dma_start3A_102 = arith.constant 7 : i32
    %dma_start3A_103 = arith.constant 0 : i32
    %dma_start3A_104 = arith.constant 0 : i32
    %dma_start3A_105 = tpu.memref_slice %arg6[%dma_start3A_102, %dma_start3A_103, %dma_start3A_104] : memref<8x8x1024xf32, #tpu.memory_space<vmem>> -> memref<1x8x1024xf32, #tpu.memory_space<vmem>>
    %dma_start3A_106 = tpu.memref_squeeze %dma_start3A_105 : memref<1x8x1024xf32, #tpu.memory_space<vmem>> -> memref<8x1024xf32, #tpu.memory_space<vmem>>
    %dma_start3A_107 = arith.constant 56 : i32
    %dma_start3A_108 = tpu.memref_slice %arg5[%dma_start3A_107] : memref<512xi32, #tpu.memory_space<vmem>> -> memref<8xi32, #tpu.memory_space<vmem>>
    %dma_start3A_109 = arith.constant 0 : i32
    %dma_start3A_110 = arith.constant 0 : i32
    %dma_start3A_111 = tpu.memref_slice %arg3[%dma_start3A_109, %dma_start3A_110] : memref<100000x1024xf32, #tpu.memory_space<hbm>> -> memref<100000x1024xf32, #tpu.memory_space<hbm>>
    tpu.enqueue_indirect_dma source(%dma_start3A_111 : memref<100000x1024xf32, #tpu.memory_space<hbm>>) target(%dma_start3A_106 : memref<8x1024xf32, #tpu.memory_space<vmem>>) offsets(%dma_start3A_108 : memref<8xi32, #tpu.memory_space<vmem>>) semaphore(%arg14 : memref<!tpu.dma_semaphore, #tpu.memory_space<semaphore_mem>>)
    %scan3A = arith.constant 0 : i32
    %scan3A_112 = arith.constant 0 : i32
    %scan3A_113 = arith.constant 8 : i32
    %scan3A_114 = arith.addi %scan3A_112, %scan3A_113 : i32
    %scan3A_115 = arith.constant 1 : i32
    scf.for %scan3A_260 = %scan3A_112 to %scan3A_114 step %scan3A_115  : i32 {
      %mul3A_261 = arith.constant 8 : i32
      %mul3A_262 = arith.muli %scan3A_260, %mul3A_261 : i32
      %add3A_263 = arith.constant 0 : i32
      %add3A_264 = arith.addi %mul3A_262, %add3A_263 : i32
      %dma_wait3A_265 = arith.constant 0 : i32
      %dma_wait3A_266 = arith.constant 0 : i32
      %dma_wait3A_267 = arith.constant 0 : i32
      %dma_wait3A_268 = tpu.memref_slice %arg6[%dma_wait3A_265, %dma_wait3A_266, %dma_wait3A_267] : memref<8x8x1024xf32, #tpu.memory_space<vmem>> -> memref<1x8x1024xf32, #tpu.memory_space<vmem>>
      %dma_wait3A_269 = tpu.memref_squeeze %dma_wait3A_268 : memref<1x8x1024xf32, #tpu.memory_space<vmem>> -> memref<8x1024xf32, #tpu.memory_space<vmem>>
      %dma_wait3A_270 = arith.constant 0 : i32
      %dma_wait3A_271 = arith.constant 0 : i32
      %dma_wait3A_272 = tpu.memref_slice %arg3[%dma_wait3A_270, %dma_wait3A_271] : memref<100000x1024xf32, #tpu.memory_space<hbm>> -> memref<8x1024xf32, #tpu.memory_space<hbm>>
      %dma_wait3A_273 = arith.constant 0 : i32
      %dma_wait3A_274 = arith.constant 0 : i32
      %dma_wait3A_275 = tpu.memref_slice %arg6[%dma_wait3A_265, %dma_wait3A_273, %dma_wait3A_274] : memref<8x8x1024xf32, #tpu.memory_space<vmem>> -> memref<1x8x1024xf32, #tpu.memory_space<vmem>>
      %dma_wait3A_276 = tpu.memref_squeeze %dma_wait3A_275 : memref<1x8x1024xf32, #tpu.memory_space<vmem>> -> memref<8x1024xf32, #tpu.memory_space<vmem>>
      %dma_wait3A_277 = arith.constant 0 : i32
      %dma_wait3A_278 = arith.constant 0 : i32
      %dma_wait3A_279 = tpu.memref_slice %arg3[%dma_wait3A_277, %dma_wait3A_278] : memref<100000x1024xf32, #tpu.memory_space<hbm>> -> memref<8x1024xf32, #tpu.memory_space<hbm>>
      tpu.wait_dma2 semaphore(%arg7 : memref<!tpu.dma_semaphore, #tpu.memory_space<semaphore_mem>>) src(%dma_wait3A_279 : memref<8x1024xf32, #tpu.memory_space<hbm>>) dst(%dma_wait3A_276 : memref<8x1024xf32, #tpu.memory_space<vmem>>)
      %mul3A_280 = arith.constant 8 : i32
      %mul3A_281 = arith.muli %add3A_264, %mul3A_280 : i32
      %add3A_282 = arith.addi %mul3A_32, %mul3A_281 : i32
      %dma_start3A_283 = arith.constant 0 : i32
      %dma_start3A_284 = arith.constant 0 : i32
      %dma_start3A_285 = arith.constant 0 : i32
      %dma_start3A_286 = tpu.memref_slice %arg6[%dma_start3A_283, %dma_start3A_284, %dma_start3A_285] : memref<8x8x1024xf32, #tpu.memory_space<vmem>> -> memref<1x8x1024xf32, #tpu.memory_space<vmem>>
      %dma_start3A_287 = tpu.memref_squeeze %dma_start3A_286 : memref<1x8x1024xf32, #tpu.memory_space<vmem>> -> memref<8x1024xf32, #tpu.memory_space<vmem>>
      %dma_start3A_288 = arith.constant 0 : i32
      %dma_start3A_289 = tpu.memref_slice %arg4[%select_n3A, %add3A_282, %dma_start3A_288] : memref<4x4096x1024xf32, #tpu.memory_space<hbm>> -> memref<1x8x1024xf32, #tpu.memory_space<hbm>>
      %dma_start3A_290 = tpu.memref_squeeze %dma_start3A_289 : memref<1x8x1024xf32, #tpu.memory_space<hbm>> -> memref<8x1024xf32, #tpu.memory_space<hbm>>
      %dma_start3A_291 = arith.constant 0 : i32
      %dma_start3A_292 = tpu.memref_slice %arg4[%select_n3A, %add3A_282, %dma_start3A_291] : memref<4x4096x1024xf32, #tpu.memory_space<hbm>> -> memref<1x8x1024xf32, #tpu.memory_space<hbm>>
      %dma_start3A_293 = tpu.memref_squeeze %dma_start3A_292 : memref<1x8x1024xf32, #tpu.memory_space<hbm>> -> memref<8x1024xf32, #tpu.memory_space<hbm>>
      %dma_start3A_294 = arith.constant 0 : i32
      %dma_start3A_295 = arith.constant 0 : i32
      %dma_start3A_296 = tpu.memref_slice %arg6[%dma_start3A_283, %dma_start3A_294, %dma_start3A_295] : memref<8x8x1024xf32, #tpu.memory_space<vmem>> -> memref<1x8x1024xf32, #tpu.memory_space<vmem>>
      %dma_start3A_297 = tpu.memref_squeeze %dma_start3A_296 : memref<1x8x1024xf32, #tpu.memory_space<vmem>> -> memref<8x1024xf32, #tpu.memory_space<vmem>>
      tpu.enqueue_dma source(%dma_start3A_297 : memref<8x1024xf32, #tpu.memory_space<vmem>>) target(%dma_start3A_293 : memref<8x1024xf32, #tpu.memory_space<hbm>>) target_semaphore(%arg15 : memref<!tpu.dma_semaphore, #tpu.memory_space<semaphore_mem>>)
      %ge3A = arith.constant 4 : i32
      %ge3A_298 = arith.cmpi sge, %add3A_264, %ge3A : i32
      %add3A_299 = arith.constant 8 : i32
      %add3A_300 = arith.addi %add3A_264, %add3A_299 : i32
      %sub3A_301 = arith.constant 4 : i32
      %sub3A_302 = arith.subi %add3A_300, %sub3A_301 : i32
      %lt3A_303 = arith.constant 64 : i32
      %lt3A_304 = arith.cmpi slt, %sub3A_302, %lt3A_303 : i32
      %and3A_305 = arith.andi %ge3A_298, %lt3A_304 : i1
      %convert_element_type3A = arith.extui %and3A_305 : i1 to i32
      %cond3A = arith.constant 0 : i32
      %cond3A_306 = arith.cmpi ne, %convert_element_type3A, %cond3A : i32
      scf.if %cond3A_306 {
        %dma_wait3A_650 = arith.constant 4 : i32
        %dma_wait3A_651 = arith.constant 0 : i32
        %dma_wait3A_652 = arith.constant 0 : i32
        %dma_wait3A_653 = arith.constant 0 : i32
        %dma_wait3A_654 = tpu.memref_slice %arg6[%dma_wait3A_650, %dma_wait3A_652, %dma_wait3A_653] : memref<8x8x1024xf32, #tpu.memory_space<vmem>> -> memref<1x8x1024xf32, #tpu.memory_space<vmem>>
        %dma_wait3A_655 = tpu.memref_squeeze %dma_wait3A_654 : memref<1x8x1024xf32, #tpu.memory_space<vmem>> -> memref<8x1024xf32, #tpu.memory_space<vmem>>
        %dma_wait3A_656 = arith.constant 0 : i32
        %dma_wait3A_657 = arith.constant 0 : i32
        %dma_wait3A_658 = tpu.memref_slice %arg4[%dma_wait3A_651, %dma_wait3A_656, %dma_wait3A_657] : memref<4x4096x1024xf32, #tpu.memory_space<hbm>> -> memref<1x8x1024xf32, #tpu.memory_space<hbm>>
        %dma_wait3A_659 = tpu.memref_squeeze %dma_wait3A_658 : memref<1x8x1024xf32, #tpu.memory_space<hbm>> -> memref<8x1024xf32, #tpu.memory_space<hbm>>
        %dma_wait3A_660 = arith.constant 0 : i32
        %dma_wait3A_661 = arith.constant 0 : i32
        %dma_wait3A_662 = tpu.memref_slice %arg4[%dma_wait3A_651, %dma_wait3A_660, %dma_wait3A_661] : memref<4x4096x1024xf32, #tpu.memory_space<hbm>> -> memref<1x8x1024xf32, #tpu.memory_space<hbm>>
        %dma_wait3A_663 = tpu.memref_squeeze %dma_wait3A_662 : memref<1x8x1024xf32, #tpu.memory_space<hbm>> -> memref<8x1024xf32, #tpu.memory_space<hbm>>
        %dma_wait3A_664 = arith.constant 0 : i32
        %dma_wait3A_665 = arith.constant 0 : i32
        %dma_wait3A_666 = tpu.memref_slice %arg6[%dma_wait3A_650, %dma_wait3A_664, %dma_wait3A_665] : memref<8x8x1024xf32, #tpu.memory_space<vmem>> -> memref<1x8x1024xf32, #tpu.memory_space<vmem>>
        %dma_wait3A_667 = tpu.memref_squeeze %dma_wait3A_666 : memref<1x8x1024xf32, #tpu.memory_space<vmem>> -> memref<8x1024xf32, #tpu.memory_space<vmem>>
        tpu.wait_dma2 semaphore(%arg19 : memref<!tpu.dma_semaphore, #tpu.memory_space<semaphore_mem>>) src(%dma_wait3A_667 : memref<8x1024xf32, #tpu.memory_space<vmem>>) dst(%dma_wait3A_663 : memref<8x1024xf32, #tpu.memory_space<hbm>>)
        %add3A_668 = arith.constant 8 : i32
        %add3A_669 = arith.addi %add3A_264, %add3A_668 : i32
        %sub3A_670 = arith.constant 4 : i32
        %sub3A_671 = arith.subi %add3A_669, %sub3A_670 : i32
        %mul3A_672 = arith.constant 8 : i32
        %mul3A_673 = arith.muli %sub3A_671, %mul3A_672 : i32
        %dma_start3A_674 = arith.constant 4 : i32
        %dma_start3A_675 = arith.constant 0 : i32
        %dma_start3A_676 = arith.constant 0 : i32
        %dma_start3A_677 = tpu.memref_slice %arg6[%dma_start3A_674, %dma_start3A_675, %dma_start3A_676] : memref<8x8x1024xf32, #tpu.memory_space<vmem>> -> memref<1x8x1024xf32, #tpu.memory_space<vmem>>
        %dma_start3A_678 = tpu.memref_squeeze %dma_start3A_677 : memref<1x8x1024xf32, #tpu.memory_space<vmem>> -> memref<8x1024xf32, #tpu.memory_space<vmem>>
        %dma_start3A_679 = tpu.memref_slice %arg5[%mul3A_673] : memref<512xi32, #tpu.memory_space<vmem>> -> memref<8xi32, #tpu.memory_space<vmem>>
        %dma_start3A_680 = arith.constant 0 : i32
        %dma_start3A_681 = arith.constant 0 : i32
        %dma_start3A_682 = tpu.memref_slice %arg3[%dma_start3A_680, %dma_start3A_681] : memref<100000x1024xf32, #tpu.memory_space<hbm>> -> memref<100000x1024xf32, #tpu.memory_space<hbm>>
        tpu.enqueue_indirect_dma source(%dma_start3A_682 : memref<100000x1024xf32, #tpu.memory_space<hbm>>) target(%dma_start3A_678 : memref<8x1024xf32, #tpu.memory_space<vmem>>) offsets(%dma_start3A_679 : memref<8xi32, #tpu.memory_space<vmem>>) semaphore(%arg11 : memref<!tpu.dma_semaphore, #tpu.memory_space<semaphore_mem>>)
      } else {
      }
      %mul3A_307 = arith.constant 8 : i32
      %mul3A_308 = arith.muli %scan3A_260, %mul3A_307 : i32
      %add3A_309 = arith.constant 1 : i32
      %add3A_310 = arith.addi %mul3A_308, %add3A_309 : i32
      %dma_wait3A_311 = arith.constant 1 : i32
      %dma_wait3A_312 = arith.constant 0 : i32
      %dma_wait3A_313 = arith.constant 0 : i32
      %dma_wait3A_314 = tpu.memref_slice %arg6[%dma_wait3A_311, %dma_wait3A_312, %dma_wait3A_313] : memref<8x8x1024xf32, #tpu.memory_space<vmem>> -> memref<1x8x1024xf32, #tpu.memory_space<vmem>>
      %dma_wait3A_315 = tpu.memref_squeeze %dma_wait3A_314 : memref<1x8x1024xf32, #tpu.memory_space<vmem>> -> memref<8x1024xf32, #tpu.memory_space<vmem>>
      %dma_wait3A_316 = arith.constant 0 : i32
      %dma_wait3A_317 = arith.constant 0 : i32
      %dma_wait3A_318 = tpu.memref_slice %arg3[%dma_wait3A_316, %dma_wait3A_317] : memref<100000x1024xf32, #tpu.memory_space<hbm>> -> memref<8x1024xf32, #tpu.memory_space<hbm>>
      %dma_wait3A_319 = arith.constant 0 : i32
      %dma_wait3A_320 = arith.constant 0 : i32
      %dma_wait3A_321 = tpu.memref_slice %arg6[%dma_wait3A_311, %dma_wait3A_319, %dma_wait3A_320] : memref<8x8x1024xf32, #tpu.memory_space<vmem>> -> memref<1x8x1024xf32, #tpu.memory_space<vmem>>
      %dma_wait3A_322 = tpu.memref_squeeze %dma_wait3A_321 : memref<1x8x1024xf32, #tpu.memory_space<vmem>> -> memref<8x1024xf32, #tpu.memory_space<vmem>>
      %dma_wait3A_323 = arith.constant 0 : i32
      %dma_wait3A_324 = arith.constant 0 : i32
      %dma_wait3A_325 = tpu.memref_slice %arg3[%dma_wait3A_323, %dma_wait3A_324] : memref<100000x1024xf32, #tpu.memory_space<hbm>> -> memref<8x1024xf32, #tpu.memory_space<hbm>>
      tpu.wait_dma2 semaphore(%arg8 : memref<!tpu.dma_semaphore, #tpu.memory_space<semaphore_mem>>) src(%dma_wait3A_325 : memref<8x1024xf32, #tpu.memory_space<hbm>>) dst(%dma_wait3A_322 : memref<8x1024xf32, #tpu.memory_space<vmem>>)
      %mul3A_326 = arith.constant 8 : i32
      %mul3A_327 = arith.muli %add3A_310, %mul3A_326 : i32
      %add3A_328 = arith.addi %mul3A_32, %mul3A_327 : i32
      %dma_start3A_329 = arith.constant 1 : i32
      %dma_start3A_330 = arith.constant 0 : i32
      %dma_start3A_331 = arith.constant 0 : i32
      %dma_start3A_332 = tpu.memref_slice %arg6[%dma_start3A_329, %dma_start3A_330, %dma_start3A_331] : memref<8x8x1024xf32, #tpu.memory_space<vmem>> -> memref<1x8x1024xf32, #tpu.memory_space<vmem>>
      %dma_start3A_333 = tpu.memref_squeeze %dma_start3A_332 : memref<1x8x1024xf32, #tpu.memory_space<vmem>> -> memref<8x1024xf32, #tpu.memory_space<vmem>>
      %dma_start3A_334 = arith.constant 0 : i32
      %dma_start3A_335 = tpu.memref_slice %arg4[%select_n3A, %add3A_328, %dma_start3A_334] : memref<4x4096x1024xf32, #tpu.memory_space<hbm>> -> memref<1x8x1024xf32, #tpu.memory_space<hbm>>
      %dma_start3A_336 = tpu.memref_squeeze %dma_start3A_335 : memref<1x8x1024xf32, #tpu.memory_space<hbm>> -> memref<8x1024xf32, #tpu.memory_space<hbm>>
      %dma_start3A_337 = arith.constant 0 : i32
      %dma_start3A_338 = tpu.memref_slice %arg4[%select_n3A, %add3A_328, %dma_start3A_337] : memref<4x4096x1024xf32, #tpu.memory_space<hbm>> -> memref<1x8x1024xf32, #tpu.memory_space<hbm>>
      %dma_start3A_339 = tpu.memref_squeeze %dma_start3A_338 : memref<1x8x1024xf32, #tpu.memory_space<hbm>> -> memref<8x1024xf32, #tpu.memory_space<hbm>>
      %dma_start3A_340 = arith.constant 0 : i32
      %dma_start3A_341 = arith.constant 0 : i32
      %dma_start3A_342 = tpu.memref_slice %arg6[%dma_start3A_329, %dma_start3A_340, %dma_start3A_341] : memref<8x8x1024xf32, #tpu.memory_space<vmem>> -> memref<1x8x1024xf32, #tpu.memory_space<vmem>>
      %dma_start3A_343 = tpu.memref_squeeze %dma_start3A_342 : memref<1x8x1024xf32, #tpu.memory_space<vmem>> -> memref<8x1024xf32, #tpu.memory_space<vmem>>
      tpu.enqueue_dma source(%dma_start3A_343 : memref<8x1024xf32, #tpu.memory_space<vmem>>) target(%dma_start3A_339 : memref<8x1024xf32, #tpu.memory_space<hbm>>) target_semaphore(%arg16 : memref<!tpu.dma_semaphore, #tpu.memory_space<semaphore_mem>>)
      %ge3A_344 = arith.constant 4 : i32
      %ge3A_345 = arith.cmpi sge, %add3A_310, %ge3A_344 : i32
      %add3A_346 = arith.constant 8 : i32
      %add3A_347 = arith.addi %add3A_310, %add3A_346 : i32
      %sub3A_348 = arith.constant 4 : i32
      %sub3A_349 = arith.subi %add3A_347, %sub3A_348 : i32
      %lt3A_350 = arith.constant 64 : i32
      %lt3A_351 = arith.cmpi slt, %sub3A_349, %lt3A_350 : i32
      %and3A_352 = arith.andi %ge3A_345, %lt3A_351 : i1
      %convert_element_type3A_353 = arith.extui %and3A_352 : i1 to i32
      %cond3A_354 = arith.constant 0 : i32
      %cond3A_355 = arith.cmpi ne, %convert_element_type3A_353, %cond3A_354 : i32
      scf.if %cond3A_355 {
        %dma_wait3A_650 = arith.constant 5 : i32
        %dma_wait3A_651 = arith.constant 0 : i32
        %dma_wait3A_652 = arith.constant 0 : i32
        %dma_wait3A_653 = arith.constant 0 : i32
        %dma_wait3A_654 = tpu.memref_slice %arg6[%dma_wait3A_650, %dma_wait3A_652, %dma_wait3A_653] : memref<8x8x1024xf32, #tpu.memory_space<vmem>> -> memref<1x8x1024xf32, #tpu.memory_space<vmem>>
        %dma_wait3A_655 = tpu.memref_squeeze %dma_wait3A_654 : memref<1x8x1024xf32, #tpu.memory_space<vmem>> -> memref<8x1024xf32, #tpu.memory_space<vmem>>
        %dma_wait3A_656 = arith.constant 0 : i32
        %dma_wait3A_657 = arith.constant 0 : i32
        %dma_wait3A_658 = tpu.memref_slice %arg4[%dma_wait3A_651, %dma_wait3A_656, %dma_wait3A_657] : memref<4x4096x1024xf32, #tpu.memory_space<hbm>> -> memref<1x8x1024xf32, #tpu.memory_space<hbm>>
        %dma_wait3A_659 = tpu.memref_squeeze %dma_wait3A_658 : memref<1x8x1024xf32, #tpu.memory_space<hbm>> -> memref<8x1024xf32, #tpu.memory_space<hbm>>
        %dma_wait3A_660 = arith.constant 0 : i32
        %dma_wait3A_661 = arith.constant 0 : i32
        %dma_wait3A_662 = tpu.memref_slice %arg4[%dma_wait3A_651, %dma_wait3A_660, %dma_wait3A_661] : memref<4x4096x1024xf32, #tpu.memory_space<hbm>> -> memref<1x8x1024xf32, #tpu.memory_space<hbm>>
        %dma_wait3A_663 = tpu.memref_squeeze %dma_wait3A_662 : memref<1x8x1024xf32, #tpu.memory_space<hbm>> -> memref<8x1024xf32, #tpu.memory_space<hbm>>
        %dma_wait3A_664 = arith.constant 0 : i32
        %dma_wait3A_665 = arith.constant 0 : i32
        %dma_wait3A_666 = tpu.memref_slice %arg6[%dma_wait3A_650, %dma_wait3A_664, %dma_wait3A_665] : memref<8x8x1024xf32, #tpu.memory_space<vmem>> -> memref<1x8x1024xf32, #tpu.memory_space<vmem>>
        %dma_wait3A_667 = tpu.memref_squeeze %dma_wait3A_666 : memref<1x8x1024xf32, #tpu.memory_space<vmem>> -> memref<8x1024xf32, #tpu.memory_space<vmem>>
        tpu.wait_dma2 semaphore(%arg20 : memref<!tpu.dma_semaphore, #tpu.memory_space<semaphore_mem>>) src(%dma_wait3A_667 : memref<8x1024xf32, #tpu.memory_space<vmem>>) dst(%dma_wait3A_663 : memref<8x1024xf32, #tpu.memory_space<hbm>>)
        %add3A_668 = arith.constant 8 : i32
        %add3A_669 = arith.addi %add3A_310, %add3A_668 : i32
        %sub3A_670 = arith.constant 4 : i32
        %sub3A_671 = arith.subi %add3A_669, %sub3A_670 : i32
        %mul3A_672 = arith.constant 8 : i32
        %mul3A_673 = arith.muli %sub3A_671, %mul3A_672 : i32
        %dma_start3A_674 = arith.constant 5 : i32
        %dma_start3A_675 = arith.constant 0 : i32
        %dma_start3A_676 = arith.constant 0 : i32
        %dma_start3A_677 = tpu.memref_slice %arg6[%dma_start3A_674, %dma_start3A_675, %dma_start3A_676] : memref<8x8x1024xf32, #tpu.memory_space<vmem>> -> memref<1x8x1024xf32, #tpu.memory_space<vmem>>
        %dma_start3A_678 = tpu.memref_squeeze %dma_start3A_677 : memref<1x8x1024xf32, #tpu.memory_space<vmem>> -> memref<8x1024xf32, #tpu.memory_space<vmem>>
        %dma_start3A_679 = tpu.memref_slice %arg5[%mul3A_673] : memref<512xi32, #tpu.memory_space<vmem>> -> memref<8xi32, #tpu.memory_space<vmem>>
        %dma_start3A_680 = arith.constant 0 : i32
        %dma_start3A_681 = arith.constant 0 : i32
        %dma_start3A_682 = tpu.memref_slice %arg3[%dma_start3A_680, %dma_start3A_681] : memref<100000x1024xf32, #tpu.memory_space<hbm>> -> memref<100000x1024xf32, #tpu.memory_space<hbm>>
        tpu.enqueue_indirect_dma source(%dma_start3A_682 : memref<100000x1024xf32, #tpu.memory_space<hbm>>) target(%dma_start3A_678 : memref<8x1024xf32, #tpu.memory_space<vmem>>) offsets(%dma_start3A_679 : memref<8xi32, #tpu.memory_space<vmem>>) semaphore(%arg12 : memref<!tpu.dma_semaphore, #tpu.memory_space<semaphore_mem>>)
      } else {
      }
      %mul3A_356 = arith.constant 8 : i32
      %mul3A_357 = arith.muli %scan3A_260, %mul3A_356 : i32
      %add3A_358 = arith.constant 2 : i32
      %add3A_359 = arith.addi %mul3A_357, %add3A_358 : i32
      %dma_wait3A_360 = arith.constant 2 : i32
      %dma_wait3A_361 = arith.constant 0 : i32
      %dma_wait3A_362 = arith.constant 0 : i32
      %dma_wait3A_363 = tpu.memref_slice %arg6[%dma_wait3A_360, %dma_wait3A_361, %dma_wait3A_362] : memref<8x8x1024xf32, #tpu.memory_space<vmem>> -> memref<1x8x1024xf32, #tpu.memory_space<vmem>>
      %dma_wait3A_364 = tpu.memref_squeeze %dma_wait3A_363 : memref<1x8x1024xf32, #tpu.memory_space<vmem>> -> memref<8x1024xf32, #tpu.memory_space<vmem>>
      %dma_wait3A_365 = arith.constant 0 : i32
      %dma_wait3A_366 = arith.constant 0 : i32
      %dma_wait3A_367 = tpu.memref_slice %arg3[%dma_wait3A_365, %dma_wait3A_366] : memref<100000x1024xf32, #tpu.memory_space<hbm>> -> memref<8x1024xf32, #tpu.memory_space<hbm>>
      %dma_wait3A_368 = arith.constant 0 : i32
      %dma_wait3A_369 = arith.constant 0 : i32
      %dma_wait3A_370 = tpu.memref_slice %arg6[%dma_wait3A_360, %dma_wait3A_368, %dma_wait3A_369] : memref<8x8x1024xf32, #tpu.memory_space<vmem>> -> memref<1x8x1024xf32, #tpu.memory_space<vmem>>
      %dma_wait3A_371 = tpu.memref_squeeze %dma_wait3A_370 : memref<1x8x1024xf32, #tpu.memory_space<vmem>> -> memref<8x1024xf32, #tpu.memory_space<vmem>>
      %dma_wait3A_372 = arith.constant 0 : i32
      %dma_wait3A_373 = arith.constant 0 : i32
      %dma_wait3A_374 = tpu.memref_slice %arg3[%dma_wait3A_372, %dma_wait3A_373] : memref<100000x1024xf32, #tpu.memory_space<hbm>> -> memref<8x1024xf32, #tpu.memory_space<hbm>>
      tpu.wait_dma2 semaphore(%arg9 : memref<!tpu.dma_semaphore, #tpu.memory_space<semaphore_mem>>) src(%dma_wait3A_374 : memref<8x1024xf32, #tpu.memory_space<hbm>>) dst(%dma_wait3A_371 : memref<8x1024xf32, #tpu.memory_space<vmem>>)
      %mul3A_375 = arith.constant 8 : i32
      %mul3A_376 = arith.muli %add3A_359, %mul3A_375 : i32
      %add3A_377 = arith.addi %mul3A_32, %mul3A_376 : i32
      %dma_start3A_378 = arith.constant 2 : i32
      %dma_start3A_379 = arith.constant 0 : i32
      %dma_start3A_380 = arith.constant 0 : i32
      %dma_start3A_381 = tpu.memref_slice %arg6[%dma_start3A_378, %dma_start3A_379, %dma_start3A_380] : memref<8x8x1024xf32, #tpu.memory_space<vmem>> -> memref<1x8x1024xf32, #tpu.memory_space<vmem>>
      %dma_start3A_382 = tpu.memref_squeeze %dma_start3A_381 : memref<1x8x1024xf32, #tpu.memory_space<vmem>> -> memref<8x1024xf32, #tpu.memory_space<vmem>>
      %dma_start3A_383 = arith.constant 0 : i32
      %dma_start3A_384 = tpu.memref_slice %arg4[%select_n3A, %add3A_377, %dma_start3A_383] : memref<4x4096x1024xf32, #tpu.memory_space<hbm>> -> memref<1x8x1024xf32, #tpu.memory_space<hbm>>
      %dma_start3A_385 = tpu.memref_squeeze %dma_start3A_384 : memref<1x8x1024xf32, #tpu.memory_space<hbm>> -> memref<8x1024xf32, #tpu.memory_space<hbm>>
      %dma_start3A_386 = arith.constant 0 : i32
      %dma_start3A_387 = tpu.memref_slice %arg4[%select_n3A, %add3A_377, %dma_start3A_386] : memref<4x4096x1024xf32, #tpu.memory_space<hbm>> -> memref<1x8x1024xf32, #tpu.memory_space<hbm>>
      %dma_start3A_388 = tpu.memref_squeeze %dma_start3A_387 : memref<1x8x1024xf32, #tpu.memory_space<hbm>> -> memref<8x1024xf32, #tpu.memory_space<hbm>>
      %dma_start3A_389 = arith.constant 0 : i32
      %dma_start3A_390 = arith.constant 0 : i32
      %dma_start3A_391 = tpu.memref_slice %arg6[%dma_start3A_378, %dma_start3A_389, %dma_start3A_390] : memref<8x8x1024xf32, #tpu.memory_space<vmem>> -> memref<1x8x1024xf32, #tpu.memory_space<vmem>>
      %dma_start3A_392 = tpu.memref_squeeze %dma_start3A_391 : memref<1x8x1024xf32, #tpu.memory_space<vmem>> -> memref<8x1024xf32, #tpu.memory_space<vmem>>
      tpu.enqueue_dma source(%dma_start3A_392 : memref<8x1024xf32, #tpu.memory_space<vmem>>) target(%dma_start3A_388 : memref<8x1024xf32, #tpu.memory_space<hbm>>) target_semaphore(%arg17 : memref<!tpu.dma_semaphore, #tpu.memory_space<semaphore_mem>>)
      %ge3A_393 = arith.constant 4 : i32
      %ge3A_394 = arith.cmpi sge, %add3A_359, %ge3A_393 : i32
      %add3A_395 = arith.constant 8 : i32
      %add3A_396 = arith.addi %add3A_359, %add3A_395 : i32
      %sub3A_397 = arith.constant 4 : i32
      %sub3A_398 = arith.subi %add3A_396, %sub3A_397 : i32
      %lt3A_399 = arith.constant 64 : i32
      %lt3A_400 = arith.cmpi slt, %sub3A_398, %lt3A_399 : i32
      %and3A_401 = arith.andi %ge3A_394, %lt3A_400 : i1
      %convert_element_type3A_402 = arith.extui %and3A_401 : i1 to i32
      %cond3A_403 = arith.constant 0 : i32
      %cond3A_404 = arith.cmpi ne, %convert_element_type3A_402, %cond3A_403 : i32
      scf.if %cond3A_404 {
        %dma_wait3A_650 = arith.constant 6 : i32
        %dma_wait3A_651 = arith.constant 0 : i32
        %dma_wait3A_652 = arith.constant 0 : i32
        %dma_wait3A_653 = arith.constant 0 : i32
        %dma_wait3A_654 = tpu.memref_slice %arg6[%dma_wait3A_650, %dma_wait3A_652, %dma_wait3A_653] : memref<8x8x1024xf32, #tpu.memory_space<vmem>> -> memref<1x8x1024xf32, #tpu.memory_space<vmem>>
        %dma_wait3A_655 = tpu.memref_squeeze %dma_wait3A_654 : memref<1x8x1024xf32, #tpu.memory_space<vmem>> -> memref<8x1024xf32, #tpu.memory_space<vmem>>
        %dma_wait3A_656 = arith.constant 0 : i32
        %dma_wait3A_657 = arith.constant 0 : i32
        %dma_wait3A_658 = tpu.memref_slice %arg4[%dma_wait3A_651, %dma_wait3A_656, %dma_wait3A_657] : memref<4x4096x1024xf32, #tpu.memory_space<hbm>> -> memref<1x8x1024xf32, #tpu.memory_space<hbm>>
        %dma_wait3A_659 = tpu.memref_squeeze %dma_wait3A_658 : memref<1x8x1024xf32, #tpu.memory_space<hbm>> -> memref<8x1024xf32, #tpu.memory_space<hbm>>
        %dma_wait3A_660 = arith.constant 0 : i32
        %dma_wait3A_661 = arith.constant 0 : i32
        %dma_wait3A_662 = tpu.memref_slice %arg4[%dma_wait3A_651, %dma_wait3A_660, %dma_wait3A_661] : memref<4x4096x1024xf32, #tpu.memory_space<hbm>> -> memref<1x8x1024xf32, #tpu.memory_space<hbm>>
        %dma_wait3A_663 = tpu.memref_squeeze %dma_wait3A_662 : memref<1x8x1024xf32, #tpu.memory_space<hbm>> -> memref<8x1024xf32, #tpu.memory_space<hbm>>
        %dma_wait3A_664 = arith.constant 0 : i32
        %dma_wait3A_665 = arith.constant 0 : i32
        %dma_wait3A_666 = tpu.memref_slice %arg6[%dma_wait3A_650, %dma_wait3A_664, %dma_wait3A_665] : memref<8x8x1024xf32, #tpu.memory_space<vmem>> -> memref<1x8x1024xf32, #tpu.memory_space<vmem>>
        %dma_wait3A_667 = tpu.memref_squeeze %dma_wait3A_666 : memref<1x8x1024xf32, #tpu.memory_space<vmem>> -> memref<8x1024xf32, #tpu.memory_space<vmem>>
        tpu.wait_dma2 semaphore(%arg21 : memref<!tpu.dma_semaphore, #tpu.memory_space<semaphore_mem>>) src(%dma_wait3A_667 : memref<8x1024xf32, #tpu.memory_space<vmem>>) dst(%dma_wait3A_663 : memref<8x1024xf32, #tpu.memory_space<hbm>>)
        %add3A_668 = arith.constant 8 : i32
        %add3A_669 = arith.addi %add3A_359, %add3A_668 : i32
        %sub3A_670 = arith.constant 4 : i32
        %sub3A_671 = arith.subi %add3A_669, %sub3A_670 : i32
        %mul3A_672 = arith.constant 8 : i32
        %mul3A_673 = arith.muli %sub3A_671, %mul3A_672 : i32
        %dma_start3A_674 = arith.constant 6 : i32
        %dma_start3A_675 = arith.constant 0 : i32
        %dma_start3A_676 = arith.constant 0 : i32
        %dma_start3A_677 = tpu.memref_slice %arg6[%dma_start3A_674, %dma_start3A_675, %dma_start3A_676] : memref<8x8x1024xf32, #tpu.memory_space<vmem>> -> memref<1x8x1024xf32, #tpu.memory_space<vmem>>
        %dma_start3A_678 = tpu.memref_squeeze %dma_start3A_677 : memref<1x8x1024xf32, #tpu.memory_space<vmem>> -> memref<8x1024xf32, #tpu.memory_space<vmem>>
        %dma_start3A_679 = tpu.memref_slice %arg5[%mul3A_673] : memref<512xi32, #tpu.memory_space<vmem>> -> memref<8xi32, #tpu.memory_space<vmem>>
        %dma_start3A_680 = arith.constant 0 : i32
        %dma_start3A_681 = arith.constant 0 : i32
        %dma_start3A_682 = tpu.memref_slice %arg3[%dma_start3A_680, %dma_start3A_681] : memref<100000x1024xf32, #tpu.memory_space<hbm>> -> memref<100000x1024xf32, #tpu.memory_space<hbm>>
        tpu.enqueue_indirect_dma source(%dma_start3A_682 : memref<100000x1024xf32, #tpu.memory_space<hbm>>) target(%dma_start3A_678 : memref<8x1024xf32, #tpu.memory_space<vmem>>) offsets(%dma_start3A_679 : memref<8xi32, #tpu.memory_space<vmem>>) semaphore(%arg13 : memref<!tpu.dma_semaphore, #tpu.memory_space<semaphore_mem>>)
      } else {
      }
      %mul3A_405 = arith.constant 8 : i32
      %mul3A_406 = arith.muli %scan3A_260, %mul3A_405 : i32
      %add3A_407 = arith.constant 3 : i32
      %add3A_408 = arith.addi %mul3A_406, %add3A_407 : i32
      %dma_wait3A_409 = arith.constant 3 : i32
      %dma_wait3A_410 = arith.constant 0 : i32
      %dma_wait3A_411 = arith.constant 0 : i32
      %dma_wait3A_412 = tpu.memref_slice %arg6[%dma_wait3A_409, %dma_wait3A_410, %dma_wait3A_411] : memref<8x8x1024xf32, #tpu.memory_space<vmem>> -> memref<1x8x1024xf32, #tpu.memory_space<vmem>>
      %dma_wait3A_413 = tpu.memref_squeeze %dma_wait3A_412 : memref<1x8x1024xf32, #tpu.memory_space<vmem>> -> memref<8x1024xf32, #tpu.memory_space<vmem>>
      %dma_wait3A_414 = arith.constant 0 : i32
      %dma_wait3A_415 = arith.constant 0 : i32
      %dma_wait3A_416 = tpu.memref_slice %arg3[%dma_wait3A_414, %dma_wait3A_415] : memref<100000x1024xf32, #tpu.memory_space<hbm>> -> memref<8x1024xf32, #tpu.memory_space<hbm>>
      %dma_wait3A_417 = arith.constant 0 : i32
      %dma_wait3A_418 = arith.constant 0 : i32
      %dma_wait3A_419 = tpu.memref_slice %arg6[%dma_wait3A_409, %dma_wait3A_417, %dma_wait3A_418] : memref<8x8x1024xf32, #tpu.memory_space<vmem>> -> memref<1x8x1024xf32, #tpu.memory_space<vmem>>
      %dma_wait3A_420 = tpu.memref_squeeze %dma_wait3A_419 : memref<1x8x1024xf32, #tpu.memory_space<vmem>> -> memref<8x1024xf32, #tpu.memory_space<vmem>>
      %dma_wait3A_421 = arith.constant 0 : i32
      %dma_wait3A_422 = arith.constant 0 : i32
      %dma_wait3A_423 = tpu.memref_slice %arg3[%dma_wait3A_421, %dma_wait3A_422] : memref<100000x1024xf32, #tpu.memory_space<hbm>> -> memref<8x1024xf32, #tpu.memory_space<hbm>>
      tpu.wait_dma2 semaphore(%arg10 : memref<!tpu.dma_semaphore, #tpu.memory_space<semaphore_mem>>) src(%dma_wait3A_423 : memref<8x1024xf32, #tpu.memory_space<hbm>>) dst(%dma_wait3A_420 : memref<8x1024xf32, #tpu.memory_space<vmem>>)
      %mul3A_424 = arith.constant 8 : i32
      %mul3A_425 = arith.muli %add3A_408, %mul3A_424 : i32
      %add3A_426 = arith.addi %mul3A_32, %mul3A_425 : i32
      %dma_start3A_427 = arith.constant 3 : i32
      %dma_start3A_428 = arith.constant 0 : i32
      %dma_start3A_429 = arith.constant 0 : i32
      %dma_start3A_430 = tpu.memref_slice %arg6[%dma_start3A_427, %dma_start3A_428, %dma_start3A_429] : memref<8x8x1024xf32, #tpu.memory_space<vmem>> -> memref<1x8x1024xf32, #tpu.memory_space<vmem>>
      %dma_start3A_431 = tpu.memref_squeeze %dma_start3A_430 : memref<1x8x1024xf32, #tpu.memory_space<vmem>> -> memref<8x1024xf32, #tpu.memory_space<vmem>>
      %dma_start3A_432 = arith.constant 0 : i32
      %dma_start3A_433 = tpu.memref_slice %arg4[%select_n3A, %add3A_426, %dma_start3A_432] : memref<4x4096x1024xf32, #tpu.memory_space<hbm>> -> memref<1x8x1024xf32, #tpu.memory_space<hbm>>
      %dma_start3A_434 = tpu.memref_squeeze %dma_start3A_433 : memref<1x8x1024xf32, #tpu.memory_space<hbm>> -> memref<8x1024xf32, #tpu.memory_space<hbm>>
      %dma_start3A_435 = arith.constant 0 : i32
      %dma_start3A_436 = tpu.memref_slice %arg4[%select_n3A, %add3A_426, %dma_start3A_435] : memref<4x4096x1024xf32, #tpu.memory_space<hbm>> -> memref<1x8x1024xf32, #tpu.memory_space<hbm>>
      %dma_start3A_437 = tpu.memref_squeeze %dma_start3A_436 : memref<1x8x1024xf32, #tpu.memory_space<hbm>> -> memref<8x1024xf32, #tpu.memory_space<hbm>>
      %dma_start3A_438 = arith.constant 0 : i32
      %dma_start3A_439 = arith.constant 0 : i32
      %dma_start3A_440 = tpu.memref_slice %arg6[%dma_start3A_427, %dma_start3A_438, %dma_start3A_439] : memref<8x8x1024xf32, #tpu.memory_space<vmem>> -> memref<1x8x1024xf32, #tpu.memory_space<vmem>>
      %dma_start3A_441 = tpu.memref_squeeze %dma_start3A_440 : memref<1x8x1024xf32, #tpu.memory_space<vmem>> -> memref<8x1024xf32, #tpu.memory_space<vmem>>
      tpu.enqueue_dma source(%dma_start3A_441 : memref<8x1024xf32, #tpu.memory_space<vmem>>) target(%dma_start3A_437 : memref<8x1024xf32, #tpu.memory_space<hbm>>) target_semaphore(%arg18 : memref<!tpu.dma_semaphore, #tpu.memory_space<semaphore_mem>>)
      %ge3A_442 = arith.constant 4 : i32
      %ge3A_443 = arith.cmpi sge, %add3A_408, %ge3A_442 : i32
      %add3A_444 = arith.constant 8 : i32
      %add3A_445 = arith.addi %add3A_408, %add3A_444 : i32
      %sub3A_446 = arith.constant 4 : i32
      %sub3A_447 = arith.subi %add3A_445, %sub3A_446 : i32
      %lt3A_448 = arith.constant 64 : i32
      %lt3A_449 = arith.cmpi slt, %sub3A_447, %lt3A_448 : i32
      %and3A_450 = arith.andi %ge3A_443, %lt3A_449 : i1
      %convert_element_type3A_451 = arith.extui %and3A_450 : i1 to i32
      %cond3A_452 = arith.constant 0 : i32
      %cond3A_453 = arith.cmpi ne, %convert_element_type3A_451, %cond3A_452 : i32
      scf.if %cond3A_453 {
        %dma_wait3A_650 = arith.constant 7 : i32
        %dma_wait3A_651 = arith.constant 0 : i32
        %dma_wait3A_652 = arith.constant 0 : i32
        %dma_wait3A_653 = arith.constant 0 : i32
        %dma_wait3A_654 = tpu.memref_slice %arg6[%dma_wait3A_650, %dma_wait3A_652, %dma_wait3A_653] : memref<8x8x1024xf32, #tpu.memory_space<vmem>> -> memref<1x8x1024xf32, #tpu.memory_space<vmem>>
        %dma_wait3A_655 = tpu.memref_squeeze %dma_wait3A_654 : memref<1x8x1024xf32, #tpu.memory_space<vmem>> -> memref<8x1024xf32, #tpu.memory_space<vmem>>
        %dma_wait3A_656 = arith.constant 0 : i32
        %dma_wait3A_657 = arith.constant 0 : i32
        %dma_wait3A_658 = tpu.memref_slice %arg4[%dma_wait3A_651, %dma_wait3A_656, %dma_wait3A_657] : memref<4x4096x1024xf32, #tpu.memory_space<hbm>> -> memref<1x8x1024xf32, #tpu.memory_space<hbm>>
        %dma_wait3A_659 = tpu.memref_squeeze %dma_wait3A_658 : memref<1x8x1024xf32, #tpu.memory_space<hbm>> -> memref<8x1024xf32, #tpu.memory_space<hbm>>
        %dma_wait3A_660 = arith.constant 0 : i32
        %dma_wait3A_661 = arith.constant 0 : i32
        %dma_wait3A_662 = tpu.memref_slice %arg4[%dma_wait3A_651, %dma_wait3A_660, %dma_wait3A_661] : memref<4x4096x1024xf32, #tpu.memory_space<hbm>> -> memref<1x8x1024xf32, #tpu.memory_space<hbm>>
        %dma_wait3A_663 = tpu.memref_squeeze %dma_wait3A_662 : memref<1x8x1024xf32, #tpu.memory_space<hbm>> -> memref<8x1024xf32, #tpu.memory_space<hbm>>
        %dma_wait3A_664 = arith.constant 0 : i32
        %dma_wait3A_665 = arith.constant 0 : i32
        %dma_wait3A_666 = tpu.memref_slice %arg6[%dma_wait3A_650, %dma_wait3A_664, %dma_wait3A_665] : memref<8x8x1024xf32, #tpu.memory_space<vmem>> -> memref<1x8x1024xf32, #tpu.memory_space<vmem>>
        %dma_wait3A_667 = tpu.memref_squeeze %dma_wait3A_666 : memref<1x8x1024xf32, #tpu.memory_space<vmem>> -> memref<8x1024xf32, #tpu.memory_space<vmem>>
        tpu.wait_dma2 semaphore(%arg22 : memref<!tpu.dma_semaphore, #tpu.memory_space<semaphore_mem>>) src(%dma_wait3A_667 : memref<8x1024xf32, #tpu.memory_space<vmem>>) dst(%dma_wait3A_663 : memref<8x1024xf32, #tpu.memory_space<hbm>>)
        %add3A_668 = arith.constant 8 : i32
        %add3A_669 = arith.addi %add3A_408, %add3A_668 : i32
        %sub3A_670 = arith.constant 4 : i32
        %sub3A_671 = arith.subi %add3A_669, %sub3A_670 : i32
        %mul3A_672 = arith.constant 8 : i32
        %mul3A_673 = arith.muli %sub3A_671, %mul3A_672 : i32
        %dma_start3A_674 = arith.constant 7 : i32
        %dma_start3A_675 = arith.constant 0 : i32
        %dma_start3A_676 = arith.constant 0 : i32
        %dma_start3A_677 = tpu.memref_slice %arg6[%dma_start3A_674, %dma_start3A_675, %dma_start3A_676] : memref<8x8x1024xf32, #tpu.memory_space<vmem>> -> memref<1x8x1024xf32, #tpu.memory_space<vmem>>
        %dma_start3A_678 = tpu.memref_squeeze %dma_start3A_677 : memref<1x8x1024xf32, #tpu.memory_space<vmem>> -> memref<8x1024xf32, #tpu.memory_space<vmem>>
        %dma_start3A_679 = tpu.memref_slice %arg5[%mul3A_673] : memref<512xi32, #tpu.memory_space<vmem>> -> memref<8xi32, #tpu.memory_space<vmem>>
        %dma_start3A_680 = arith.constant 0 : i32
        %dma_start3A_681 = arith.constant 0 : i32
        %dma_start3A_682 = tpu.memref_slice %arg3[%dma_start3A_680, %dma_start3A_681] : memref<100000x1024xf32, #tpu.memory_space<hbm>> -> memref<100000x1024xf32, #tpu.memory_space<hbm>>
        tpu.enqueue_indirect_dma source(%dma_start3A_682 : memref<100000x1024xf32, #tpu.memory_space<hbm>>) target(%dma_start3A_678 : memref<8x1024xf32, #tpu.memory_space<vmem>>) offsets(%dma_start3A_679 : memref<8xi32, #tpu.memory_space<vmem>>) semaphore(%arg14 : memref<!tpu.dma_semaphore, #tpu.memory_space<semaphore_mem>>)
      } else {
      }
      %mul3A_454 = arith.constant 8 : i32
      %mul3A_455 = arith.muli %scan3A_260, %mul3A_454 : i32
      %add3A_456 = arith.constant 4 : i32
      %add3A_457 = arith.addi %mul3A_455, %add3A_456 : i32
      %dma_wait3A_458 = arith.constant 4 : i32
      %dma_wait3A_459 = arith.constant 0 : i32
      %dma_wait3A_460 = arith.constant 0 : i32
      %dma_wait3A_461 = tpu.memref_slice %arg6[%dma_wait3A_458, %dma_wait3A_459, %dma_wait3A_460] : memref<8x8x1024xf32, #tpu.memory_space<vmem>> -> memref<1x8x1024xf32, #tpu.memory_space<vmem>>
      %dma_wait3A_462 = tpu.memref_squeeze %dma_wait3A_461 : memref<1x8x1024xf32, #tpu.memory_space<vmem>> -> memref<8x1024xf32, #tpu.memory_space<vmem>>
      %dma_wait3A_463 = arith.constant 0 : i32
      %dma_wait3A_464 = arith.constant 0 : i32
      %dma_wait3A_465 = tpu.memref_slice %arg3[%dma_wait3A_463, %dma_wait3A_464] : memref<100000x1024xf32, #tpu.memory_space<hbm>> -> memref<8x1024xf32, #tpu.memory_space<hbm>>
      %dma_wait3A_466 = arith.constant 0 : i32
      %dma_wait3A_467 = arith.constant 0 : i32
      %dma_wait3A_468 = tpu.memref_slice %arg6[%dma_wait3A_458, %dma_wait3A_466, %dma_wait3A_467] : memref<8x8x1024xf32, #tpu.memory_space<vmem>> -> memref<1x8x1024xf32, #tpu.memory_space<vmem>>
      %dma_wait3A_469 = tpu.memref_squeeze %dma_wait3A_468 : memref<1x8x1024xf32, #tpu.memory_space<vmem>> -> memref<8x1024xf32, #tpu.memory_space<vmem>>
      %dma_wait3A_470 = arith.constant 0 : i32
      %dma_wait3A_471 = arith.constant 0 : i32
      %dma_wait3A_472 = tpu.memref_slice %arg3[%dma_wait3A_470, %dma_wait3A_471] : memref<100000x1024xf32, #tpu.memory_space<hbm>> -> memref<8x1024xf32, #tpu.memory_space<hbm>>
      tpu.wait_dma2 semaphore(%arg11 : memref<!tpu.dma_semaphore, #tpu.memory_space<semaphore_mem>>) src(%dma_wait3A_472 : memref<8x1024xf32, #tpu.memory_space<hbm>>) dst(%dma_wait3A_469 : memref<8x1024xf32, #tpu.memory_space<vmem>>)
      %mul3A_473 = arith.constant 8 : i32
      %mul3A_474 = arith.muli %add3A_457, %mul3A_473 : i32
      %add3A_475 = arith.addi %mul3A_32, %mul3A_474 : i32
      %dma_start3A_476 = arith.constant 4 : i32
      %dma_start3A_477 = arith.constant 0 : i32
      %dma_start3A_478 = arith.constant 0 : i32
      %dma_start3A_479 = tpu.memref_slice %arg6[%dma_start3A_476, %dma_start3A_477, %dma_start3A_478] : memref<8x8x1024xf32, #tpu.memory_space<vmem>> -> memref<1x8x1024xf32, #tpu.memory_space<vmem>>
      %dma_start3A_480 = tpu.memref_squeeze %dma_start3A_479 : memref<1x8x1024xf32, #tpu.memory_space<vmem>> -> memref<8x1024xf32, #tpu.memory_space<vmem>>
      %dma_start3A_481 = arith.constant 0 : i32
      %dma_start3A_482 = tpu.memref_slice %arg4[%select_n3A, %add3A_475, %dma_start3A_481] : memref<4x4096x1024xf32, #tpu.memory_space<hbm>> -> memref<1x8x1024xf32, #tpu.memory_space<hbm>>
      %dma_start3A_483 = tpu.memref_squeeze %dma_start3A_482 : memref<1x8x1024xf32, #tpu.memory_space<hbm>> -> memref<8x1024xf32, #tpu.memory_space<hbm>>
      %dma_start3A_484 = arith.constant 0 : i32
      %dma_start3A_485 = tpu.memref_slice %arg4[%select_n3A, %add3A_475, %dma_start3A_484] : memref<4x4096x1024xf32, #tpu.memory_space<hbm>> -> memref<1x8x1024xf32, #tpu.memory_space<hbm>>
      %dma_start3A_486 = tpu.memref_squeeze %dma_start3A_485 : memref<1x8x1024xf32, #tpu.memory_space<hbm>> -> memref<8x1024xf32, #tpu.memory_space<hbm>>
      %dma_start3A_487 = arith.constant 0 : i32
      %dma_start3A_488 = arith.constant 0 : i32
      %dma_start3A_489 = tpu.memref_slice %arg6[%dma_start3A_476, %dma_start3A_487, %dma_start3A_488] : memref<8x8x1024xf32, #tpu.memory_space<vmem>> -> memref<1x8x1024xf32, #tpu.memory_space<vmem>>
      %dma_start3A_490 = tpu.memref_squeeze %dma_start3A_489 : memref<1x8x1024xf32, #tpu.memory_space<vmem>> -> memref<8x1024xf32, #tpu.memory_space<vmem>>
      tpu.enqueue_dma source(%dma_start3A_490 : memref<8x1024xf32, #tpu.memory_space<vmem>>) target(%dma_start3A_486 : memref<8x1024xf32, #tpu.memory_space<hbm>>) target_semaphore(%arg19 : memref<!tpu.dma_semaphore, #tpu.memory_space<semaphore_mem>>)
      %ge3A_491 = arith.constant 4 : i32
      %ge3A_492 = arith.cmpi sge, %add3A_457, %ge3A_491 : i32
      %add3A_493 = arith.constant 8 : i32
      %add3A_494 = arith.addi %add3A_457, %add3A_493 : i32
      %sub3A_495 = arith.constant 4 : i32
      %sub3A_496 = arith.subi %add3A_494, %sub3A_495 : i32
      %lt3A_497 = arith.constant 64 : i32
      %lt3A_498 = arith.cmpi slt, %sub3A_496, %lt3A_497 : i32
      %and3A_499 = arith.andi %ge3A_492, %lt3A_498 : i1
      %convert_element_type3A_500 = arith.extui %and3A_499 : i1 to i32
      %cond3A_501 = arith.constant 0 : i32
      %cond3A_502 = arith.cmpi ne, %convert_element_type3A_500, %cond3A_501 : i32
      scf.if %cond3A_502 {
        %dma_wait3A_650 = arith.constant 0 : i32
        %dma_wait3A_651 = arith.constant 0 : i32
        %dma_wait3A_652 = arith.constant 0 : i32
        %dma_wait3A_653 = arith.constant 0 : i32
        %dma_wait3A_654 = tpu.memref_slice %arg6[%dma_wait3A_650, %dma_wait3A_652, %dma_wait3A_653] : memref<8x8x1024xf32, #tpu.memory_space<vmem>> -> memref<1x8x1024xf32, #tpu.memory_space<vmem>>
        %dma_wait3A_655 = tpu.memref_squeeze %dma_wait3A_654 : memref<1x8x1024xf32, #tpu.memory_space<vmem>> -> memref<8x1024xf32, #tpu.memory_space<vmem>>
        %dma_wait3A_656 = arith.constant 0 : i32
        %dma_wait3A_657 = arith.constant 0 : i32
        %dma_wait3A_658 = tpu.memref_slice %arg4[%dma_wait3A_651, %dma_wait3A_656, %dma_wait3A_657] : memref<4x4096x1024xf32, #tpu.memory_space<hbm>> -> memref<1x8x1024xf32, #tpu.memory_space<hbm>>
        %dma_wait3A_659 = tpu.memref_squeeze %dma_wait3A_658 : memref<1x8x1024xf32, #tpu.memory_space<hbm>> -> memref<8x1024xf32, #tpu.memory_space<hbm>>
        %dma_wait3A_660 = arith.constant 0 : i32
        %dma_wait3A_661 = arith.constant 0 : i32
        %dma_wait3A_662 = tpu.memref_slice %arg4[%dma_wait3A_651, %dma_wait3A_660, %dma_wait3A_661] : memref<4x4096x1024xf32, #tpu.memory_space<hbm>> -> memref<1x8x1024xf32, #tpu.memory_space<hbm>>
        %dma_wait3A_663 = tpu.memref_squeeze %dma_wait3A_662 : memref<1x8x1024xf32, #tpu.memory_space<hbm>> -> memref<8x1024xf32, #tpu.memory_space<hbm>>
        %dma_wait3A_664 = arith.constant 0 : i32
        %dma_wait3A_665 = arith.constant 0 : i32
        %dma_wait3A_666 = tpu.memref_slice %arg6[%dma_wait3A_650, %dma_wait3A_664, %dma_wait3A_665] : memref<8x8x1024xf32, #tpu.memory_space<vmem>> -> memref<1x8x1024xf32, #tpu.memory_space<vmem>>
        %dma_wait3A_667 = tpu.memref_squeeze %dma_wait3A_666 : memref<1x8x1024xf32, #tpu.memory_space<vmem>> -> memref<8x1024xf32, #tpu.memory_space<vmem>>
        tpu.wait_dma2 semaphore(%arg15 : memref<!tpu.dma_semaphore, #tpu.memory_space<semaphore_mem>>) src(%dma_wait3A_667 : memref<8x1024xf32, #tpu.memory_space<vmem>>) dst(%dma_wait3A_663 : memref<8x1024xf32, #tpu.memory_space<hbm>>)
        %add3A_668 = arith.constant 8 : i32
        %add3A_669 = arith.addi %add3A_457, %add3A_668 : i32
        %sub3A_670 = arith.constant 4 : i32
        %sub3A_671 = arith.subi %add3A_669, %sub3A_670 : i32
        %mul3A_672 = arith.constant 8 : i32
        %mul3A_673 = arith.muli %sub3A_671, %mul3A_672 : i32
        %dma_start3A_674 = arith.constant 0 : i32
        %dma_start3A_675 = arith.constant 0 : i32
        %dma_start3A_676 = arith.constant 0 : i32
        %dma_start3A_677 = tpu.memref_slice %arg6[%dma_start3A_674, %dma_start3A_675, %dma_start3A_676] : memref<8x8x1024xf32, #tpu.memory_space<vmem>> -> memref<1x8x1024xf32, #tpu.memory_space<vmem>>
        %dma_start3A_678 = tpu.memref_squeeze %dma_start3A_677 : memref<1x8x1024xf32, #tpu.memory_space<vmem>> -> memref<8x1024xf32, #tpu.memory_space<vmem>>
        %dma_start3A_679 = tpu.memref_slice %arg5[%mul3A_673] : memref<512xi32, #tpu.memory_space<vmem>> -> memref<8xi32, #tpu.memory_space<vmem>>
        %dma_start3A_680 = arith.constant 0 : i32
        %dma_start3A_681 = arith.constant 0 : i32
        %dma_start3A_682 = tpu.memref_slice %arg3[%dma_start3A_680, %dma_start3A_681] : memref<100000x1024xf32, #tpu.memory_space<hbm>> -> memref<100000x1024xf32, #tpu.memory_space<hbm>>
        tpu.enqueue_indirect_dma source(%dma_start3A_682 : memref<100000x1024xf32, #tpu.memory_space<hbm>>) target(%dma_start3A_678 : memref<8x1024xf32, #tpu.memory_space<vmem>>) offsets(%dma_start3A_679 : memref<8xi32, #tpu.memory_space<vmem>>) semaphore(%arg7 : memref<!tpu.dma_semaphore, #tpu.memory_space<semaphore_mem>>)
      } else {
      }
      %mul3A_503 = arith.constant 8 : i32
      %mul3A_504 = arith.muli %scan3A_260, %mul3A_503 : i32
      %add3A_505 = arith.constant 5 : i32
      %add3A_506 = arith.addi %mul3A_504, %add3A_505 : i32
      %dma_wait3A_507 = arith.constant 5 : i32
      %dma_wait3A_508 = arith.constant 0 : i32
      %dma_wait3A_509 = arith.constant 0 : i32
      %dma_wait3A_510 = tpu.memref_slice %arg6[%dma_wait3A_507, %dma_wait3A_508, %dma_wait3A_509] : memref<8x8x1024xf32, #tpu.memory_space<vmem>> -> memref<1x8x1024xf32, #tpu.memory_space<vmem>>
      %dma_wait3A_511 = tpu.memref_squeeze %dma_wait3A_510 : memref<1x8x1024xf32, #tpu.memory_space<vmem>> -> memref<8x1024xf32, #tpu.memory_space<vmem>>
      %dma_wait3A_512 = arith.constant 0 : i32
      %dma_wait3A_513 = arith.constant 0 : i32
      %dma_wait3A_514 = tpu.memref_slice %arg3[%dma_wait3A_512, %dma_wait3A_513] : memref<100000x1024xf32, #tpu.memory_space<hbm>> -> memref<8x1024xf32, #tpu.memory_space<hbm>>
      %dma_wait3A_515 = arith.constant 0 : i32
      %dma_wait3A_516 = arith.constant 0 : i32
      %dma_wait3A_517 = tpu.memref_slice %arg6[%dma_wait3A_507, %dma_wait3A_515, %dma_wait3A_516] : memref<8x8x1024xf32, #tpu.memory_space<vmem>> -> memref<1x8x1024xf32, #tpu.memory_space<vmem>>
      %dma_wait3A_518 = tpu.memref_squeeze %dma_wait3A_517 : memref<1x8x1024xf32, #tpu.memory_space<vmem>> -> memref<8x1024xf32, #tpu.memory_space<vmem>>
      %dma_wait3A_519 = arith.constant 0 : i32
      %dma_wait3A_520 = arith.constant 0 : i32
      %dma_wait3A_521 = tpu.memref_slice %arg3[%dma_wait3A_519, %dma_wait3A_520] : memref<100000x1024xf32, #tpu.memory_space<hbm>> -> memref<8x1024xf32, #tpu.memory_space<hbm>>
      tpu.wait_dma2 semaphore(%arg12 : memref<!tpu.dma_semaphore, #tpu.memory_space<semaphore_mem>>) src(%dma_wait3A_521 : memref<8x1024xf32, #tpu.memory_space<hbm>>) dst(%dma_wait3A_518 : memref<8x1024xf32, #tpu.memory_space<vmem>>)
      %mul3A_522 = arith.constant 8 : i32
      %mul3A_523 = arith.muli %add3A_506, %mul3A_522 : i32
      %add3A_524 = arith.addi %mul3A_32, %mul3A_523 : i32
      %dma_start3A_525 = arith.constant 5 : i32
      %dma_start3A_526 = arith.constant 0 : i32
      %dma_start3A_527 = arith.constant 0 : i32
      %dma_start3A_528 = tpu.memref_slice %arg6[%dma_start3A_525, %dma_start3A_526, %dma_start3A_527] : memref<8x8x1024xf32, #tpu.memory_space<vmem>> -> memref<1x8x1024xf32, #tpu.memory_space<vmem>>
      %dma_start3A_529 = tpu.memref_squeeze %dma_start3A_528 : memref<1x8x1024xf32, #tpu.memory_space<vmem>> -> memref<8x1024xf32, #tpu.memory_space<vmem>>
      %dma_start3A_530 = arith.constant 0 : i32
      %dma_start3A_531 = tpu.memref_slice %arg4[%select_n3A, %add3A_524, %dma_start3A_530] : memref<4x4096x1024xf32, #tpu.memory_space<hbm>> -> memref<1x8x1024xf32, #tpu.memory_space<hbm>>
      %dma_start3A_532 = tpu.memref_squeeze %dma_start3A_531 : memref<1x8x1024xf32, #tpu.memory_space<hbm>> -> memref<8x1024xf32, #tpu.memory_space<hbm>>
      %dma_start3A_533 = arith.constant 0 : i32
      %dma_start3A_534 = tpu.memref_slice %arg4[%select_n3A, %add3A_524, %dma_start3A_533] : memref<4x4096x1024xf32, #tpu.memory_space<hbm>> -> memref<1x8x1024xf32, #tpu.memory_space<hbm>>
      %dma_start3A_535 = tpu.memref_squeeze %dma_start3A_534 : memref<1x8x1024xf32, #tpu.memory_space<hbm>> -> memref<8x1024xf32, #tpu.memory_space<hbm>>
      %dma_start3A_536 = arith.constant 0 : i32
      %dma_start3A_537 = arith.constant 0 : i32
      %dma_start3A_538 = tpu.memref_slice %arg6[%dma_start3A_525, %dma_start3A_536, %dma_start3A_537] : memref<8x8x1024xf32, #tpu.memory_space<vmem>> -> memref<1x8x1024xf32, #tpu.memory_space<vmem>>
      %dma_start3A_539 = tpu.memref_squeeze %dma_start3A_538 : memref<1x8x1024xf32, #tpu.memory_space<vmem>> -> memref<8x1024xf32, #tpu.memory_space<vmem>>
      tpu.enqueue_dma source(%dma_start3A_539 : memref<8x1024xf32, #tpu.memory_space<vmem>>) target(%dma_start3A_535 : memref<8x1024xf32, #tpu.memory_space<hbm>>) target_semaphore(%arg20 : memref<!tpu.dma_semaphore, #tpu.memory_space<semaphore_mem>>)
      %ge3A_540 = arith.constant 4 : i32
      %ge3A_541 = arith.cmpi sge, %add3A_506, %ge3A_540 : i32
      %add3A_542 = arith.constant 8 : i32
      %add3A_543 = arith.addi %add3A_506, %add3A_542 : i32
      %sub3A_544 = arith.constant 4 : i32
      %sub3A_545 = arith.subi %add3A_543, %sub3A_544 : i32
      %lt3A_546 = arith.constant 64 : i32
      %lt3A_547 = arith.cmpi slt, %sub3A_545, %lt3A_546 : i32
      %and3A_548 = arith.andi %ge3A_541, %lt3A_547 : i1
      %convert_element_type3A_549 = arith.extui %and3A_548 : i1 to i32
      %cond3A_550 = arith.constant 0 : i32
      %cond3A_551 = arith.cmpi ne, %convert_element_type3A_549, %cond3A_550 : i32
      scf.if %cond3A_551 {
        %dma_wait3A_650 = arith.constant 1 : i32
        %dma_wait3A_651 = arith.constant 0 : i32
        %dma_wait3A_652 = arith.constant 0 : i32
        %dma_wait3A_653 = arith.constant 0 : i32
        %dma_wait3A_654 = tpu.memref_slice %arg6[%dma_wait3A_650, %dma_wait3A_652, %dma_wait3A_653] : memref<8x8x1024xf32, #tpu.memory_space<vmem>> -> memref<1x8x1024xf32, #tpu.memory_space<vmem>>
        %dma_wait3A_655 = tpu.memref_squeeze %dma_wait3A_654 : memref<1x8x1024xf32, #tpu.memory_space<vmem>> -> memref<8x1024xf32, #tpu.memory_space<vmem>>
        %dma_wait3A_656 = arith.constant 0 : i32
        %dma_wait3A_657 = arith.constant 0 : i32
        %dma_wait3A_658 = tpu.memref_slice %arg4[%dma_wait3A_651, %dma_wait3A_656, %dma_wait3A_657] : memref<4x4096x1024xf32, #tpu.memory_space<hbm>> -> memref<1x8x1024xf32, #tpu.memory_space<hbm>>
        %dma_wait3A_659 = tpu.memref_squeeze %dma_wait3A_658 : memref<1x8x1024xf32, #tpu.memory_space<hbm>> -> memref<8x1024xf32, #tpu.memory_space<hbm>>
        %dma_wait3A_660 = arith.constant 0 : i32
        %dma_wait3A_661 = arith.constant 0 : i32
        %dma_wait3A_662 = tpu.memref_slice %arg4[%dma_wait3A_651, %dma_wait3A_660, %dma_wait3A_661] : memref<4x4096x1024xf32, #tpu.memory_space<hbm>> -> memref<1x8x1024xf32, #tpu.memory_space<hbm>>
        %dma_wait3A_663 = tpu.memref_squeeze %dma_wait3A_662 : memref<1x8x1024xf32, #tpu.memory_space<hbm>> -> memref<8x1024xf32, #tpu.memory_space<hbm>>
        %dma_wait3A_664 = arith.constant 0 : i32
        %dma_wait3A_665 = arith.constant 0 : i32
        %dma_wait3A_666 = tpu.memref_slice %arg6[%dma_wait3A_650, %dma_wait3A_664, %dma_wait3A_665] : memref<8x8x1024xf32, #tpu.memory_space<vmem>> -> memref<1x8x1024xf32, #tpu.memory_space<vmem>>
        %dma_wait3A_667 = tpu.memref_squeeze %dma_wait3A_666 : memref<1x8x1024xf32, #tpu.memory_space<vmem>> -> memref<8x1024xf32, #tpu.memory_space<vmem>>
        tpu.wait_dma2 semaphore(%arg16 : memref<!tpu.dma_semaphore, #tpu.memory_space<semaphore_mem>>) src(%dma_wait3A_667 : memref<8x1024xf32, #tpu.memory_space<vmem>>) dst(%dma_wait3A_663 : memref<8x1024xf32, #tpu.memory_space<hbm>>)
        %add3A_668 = arith.constant 8 : i32
        %add3A_669 = arith.addi %add3A_506, %add3A_668 : i32
        %sub3A_670 = arith.constant 4 : i32
        %sub3A_671 = arith.subi %add3A_669, %sub3A_670 : i32
        %mul3A_672 = arith.constant 8 : i32
        %mul3A_673 = arith.muli %sub3A_671, %mul3A_672 : i32
        %dma_start3A_674 = arith.constant 1 : i32
        %dma_start3A_675 = arith.constant 0 : i32
        %dma_start3A_676 = arith.constant 0 : i32
        %dma_start3A_677 = tpu.memref_slice %arg6[%dma_start3A_674, %dma_start3A_675, %dma_start3A_676] : memref<8x8x1024xf32, #tpu.memory_space<vmem>> -> memref<1x8x1024xf32, #tpu.memory_space<vmem>>
        %dma_start3A_678 = tpu.memref_squeeze %dma_start3A_677 : memref<1x8x1024xf32, #tpu.memory_space<vmem>> -> memref<8x1024xf32, #tpu.memory_space<vmem>>
        %dma_start3A_679 = tpu.memref_slice %arg5[%mul3A_673] : memref<512xi32, #tpu.memory_space<vmem>> -> memref<8xi32, #tpu.memory_space<vmem>>
        %dma_start3A_680 = arith.constant 0 : i32
        %dma_start3A_681 = arith.constant 0 : i32
        %dma_start3A_682 = tpu.memref_slice %arg3[%dma_start3A_680, %dma_start3A_681] : memref<100000x1024xf32, #tpu.memory_space<hbm>> -> memref<100000x1024xf32, #tpu.memory_space<hbm>>
        tpu.enqueue_indirect_dma source(%dma_start3A_682 : memref<100000x1024xf32, #tpu.memory_space<hbm>>) target(%dma_start3A_678 : memref<8x1024xf32, #tpu.memory_space<vmem>>) offsets(%dma_start3A_679 : memref<8xi32, #tpu.memory_space<vmem>>) semaphore(%arg8 : memref<!tpu.dma_semaphore, #tpu.memory_space<semaphore_mem>>)
      } else {
      }
      %mul3A_552 = arith.constant 8 : i32
      %mul3A_553 = arith.muli %scan3A_260, %mul3A_552 : i32
      %add3A_554 = arith.constant 6 : i32
      %add3A_555 = arith.addi %mul3A_553, %add3A_554 : i32
      %dma_wait3A_556 = arith.constant 6 : i32
      %dma_wait3A_557 = arith.constant 0 : i32
      %dma_wait3A_558 = arith.constant 0 : i32
      %dma_wait3A_559 = tpu.memref_slice %arg6[%dma_wait3A_556, %dma_wait3A_557, %dma_wait3A_558] : memref<8x8x1024xf32, #tpu.memory_space<vmem>> -> memref<1x8x1024xf32, #tpu.memory_space<vmem>>
      %dma_wait3A_560 = tpu.memref_squeeze %dma_wait3A_559 : memref<1x8x1024xf32, #tpu.memory_space<vmem>> -> memref<8x1024xf32, #tpu.memory_space<vmem>>
      %dma_wait3A_561 = arith.constant 0 : i32
      %dma_wait3A_562 = arith.constant 0 : i32
      %dma_wait3A_563 = tpu.memref_slice %arg3[%dma_wait3A_561, %dma_wait3A_562] : memref<100000x1024xf32, #tpu.memory_space<hbm>> -> memref<8x1024xf32, #tpu.memory_space<hbm>>
      %dma_wait3A_564 = arith.constant 0 : i32
      %dma_wait3A_565 = arith.constant 0 : i32
      %dma_wait3A_566 = tpu.memref_slice %arg6[%dma_wait3A_556, %dma_wait3A_564, %dma_wait3A_565] : memref<8x8x1024xf32, #tpu.memory_space<vmem>> -> memref<1x8x1024xf32, #tpu.memory_space<vmem>>
      %dma_wait3A_567 = tpu.memref_squeeze %dma_wait3A_566 : memref<1x8x1024xf32, #tpu.memory_space<vmem>> -> memref<8x1024xf32, #tpu.memory_space<vmem>>
      %dma_wait3A_568 = arith.constant 0 : i32
      %dma_wait3A_569 = arith.constant 0 : i32
      %dma_wait3A_570 = tpu.memref_slice %arg3[%dma_wait3A_568, %dma_wait3A_569] : memref<100000x1024xf32, #tpu.memory_space<hbm>> -> memref<8x1024xf32, #tpu.memory_space<hbm>>
      tpu.wait_dma2 semaphore(%arg13 : memref<!tpu.dma_semaphore, #tpu.memory_space<semaphore_mem>>) src(%dma_wait3A_570 : memref<8x1024xf32, #tpu.memory_space<hbm>>) dst(%dma_wait3A_567 : memref<8x1024xf32, #tpu.memory_space<vmem>>)
      %mul3A_571 = arith.constant 8 : i32
      %mul3A_572 = arith.muli %add3A_555, %mul3A_571 : i32
      %add3A_573 = arith.addi %mul3A_32, %mul3A_572 : i32
      %dma_start3A_574 = arith.constant 6 : i32
      %dma_start3A_575 = arith.constant 0 : i32
      %dma_start3A_576 = arith.constant 0 : i32
      %dma_start3A_577 = tpu.memref_slice %arg6[%dma_start3A_574, %dma_start3A_575, %dma_start3A_576] : memref<8x8x1024xf32, #tpu.memory_space<vmem>> -> memref<1x8x1024xf32, #tpu.memory_space<vmem>>
      %dma_start3A_578 = tpu.memref_squeeze %dma_start3A_577 : memref<1x8x1024xf32, #tpu.memory_space<vmem>> -> memref<8x1024xf32, #tpu.memory_space<vmem>>
      %dma_start3A_579 = arith.constant 0 : i32
      %dma_start3A_580 = tpu.memref_slice %arg4[%select_n3A, %add3A_573, %dma_start3A_579] : memref<4x4096x1024xf32, #tpu.memory_space<hbm>> -> memref<1x8x1024xf32, #tpu.memory_space<hbm>>
      %dma_start3A_581 = tpu.memref_squeeze %dma_start3A_580 : memref<1x8x1024xf32, #tpu.memory_space<hbm>> -> memref<8x1024xf32, #tpu.memory_space<hbm>>
      %dma_start3A_582 = arith.constant 0 : i32
      %dma_start3A_583 = tpu.memref_slice %arg4[%select_n3A, %add3A_573, %dma_start3A_582] : memref<4x4096x1024xf32, #tpu.memory_space<hbm>> -> memref<1x8x1024xf32, #tpu.memory_space<hbm>>
      %dma_start3A_584 = tpu.memref_squeeze %dma_start3A_583 : memref<1x8x1024xf32, #tpu.memory_space<hbm>> -> memref<8x1024xf32, #tpu.memory_space<hbm>>
      %dma_start3A_585 = arith.constant 0 : i32
      %dma_start3A_586 = arith.constant 0 : i32
      %dma_start3A_587 = tpu.memref_slice %arg6[%dma_start3A_574, %dma_start3A_585, %dma_start3A_586] : memref<8x8x1024xf32, #tpu.memory_space<vmem>> -> memref<1x8x1024xf32, #tpu.memory_space<vmem>>
      %dma_start3A_588 = tpu.memref_squeeze %dma_start3A_587 : memref<1x8x1024xf32, #tpu.memory_space<vmem>> -> memref<8x1024xf32, #tpu.memory_space<vmem>>
      tpu.enqueue_dma source(%dma_start3A_588 : memref<8x1024xf32, #tpu.memory_space<vmem>>) target(%dma_start3A_584 : memref<8x1024xf32, #tpu.memory_space<hbm>>) target_semaphore(%arg21 : memref<!tpu.dma_semaphore, #tpu.memory_space<semaphore_mem>>)
      %ge3A_589 = arith.constant 4 : i32
      %ge3A_590 = arith.cmpi sge, %add3A_555, %ge3A_589 : i32
      %add3A_591 = arith.constant 8 : i32
      %add3A_592 = arith.addi %add3A_555, %add3A_591 : i32
      %sub3A_593 = arith.constant 4 : i32
      %sub3A_594 = arith.subi %add3A_592, %sub3A_593 : i32
      %lt3A_595 = arith.constant 64 : i32
      %lt3A_596 = arith.cmpi slt, %sub3A_594, %lt3A_595 : i32
      %and3A_597 = arith.andi %ge3A_590, %lt3A_596 : i1
      %convert_element_type3A_598 = arith.extui %and3A_597 : i1 to i32
      %cond3A_599 = arith.constant 0 : i32
      %cond3A_600 = arith.cmpi ne, %convert_element_type3A_598, %cond3A_599 : i32
      scf.if %cond3A_600 {
        %dma_wait3A_650 = arith.constant 2 : i32
        %dma_wait3A_651 = arith.constant 0 : i32
        %dma_wait3A_652 = arith.constant 0 : i32
        %dma_wait3A_653 = arith.constant 0 : i32
        %dma_wait3A_654 = tpu.memref_slice %arg6[%dma_wait3A_650, %dma_wait3A_652, %dma_wait3A_653] : memref<8x8x1024xf32, #tpu.memory_space<vmem>> -> memref<1x8x1024xf32, #tpu.memory_space<vmem>>
        %dma_wait3A_655 = tpu.memref_squeeze %dma_wait3A_654 : memref<1x8x1024xf32, #tpu.memory_space<vmem>> -> memref<8x1024xf32, #tpu.memory_space<vmem>>
        %dma_wait3A_656 = arith.constant 0 : i32
        %dma_wait3A_657 = arith.constant 0 : i32
        %dma_wait3A_658 = tpu.memref_slice %arg4[%dma_wait3A_651, %dma_wait3A_656, %dma_wait3A_657] : memref<4x4096x1024xf32, #tpu.memory_space<hbm>> -> memref<1x8x1024xf32, #tpu.memory_space<hbm>>
        %dma_wait3A_659 = tpu.memref_squeeze %dma_wait3A_658 : memref<1x8x1024xf32, #tpu.memory_space<hbm>> -> memref<8x1024xf32, #tpu.memory_space<hbm>>
        %dma_wait3A_660 = arith.constant 0 : i32
        %dma_wait3A_661 = arith.constant 0 : i32
        %dma_wait3A_662 = tpu.memref_slice %arg4[%dma_wait3A_651, %dma_wait3A_660, %dma_wait3A_661] : memref<4x4096x1024xf32, #tpu.memory_space<hbm>> -> memref<1x8x1024xf32, #tpu.memory_space<hbm>>
        %dma_wait3A_663 = tpu.memref_squeeze %dma_wait3A_662 : memref<1x8x1024xf32, #tpu.memory_space<hbm>> -> memref<8x1024xf32, #tpu.memory_space<hbm>>
        %dma_wait3A_664 = arith.constant 0 : i32
        %dma_wait3A_665 = arith.constant 0 : i32
        %dma_wait3A_666 = tpu.memref_slice %arg6[%dma_wait3A_650, %dma_wait3A_664, %dma_wait3A_665] : memref<8x8x1024xf32, #tpu.memory_space<vmem>> -> memref<1x8x1024xf32, #tpu.memory_space<vmem>>
        %dma_wait3A_667 = tpu.memref_squeeze %dma_wait3A_666 : memref<1x8x1024xf32, #tpu.memory_space<vmem>> -> memref<8x1024xf32, #tpu.memory_space<vmem>>
        tpu.wait_dma2 semaphore(%arg17 : memref<!tpu.dma_semaphore, #tpu.memory_space<semaphore_mem>>) src(%dma_wait3A_667 : memref<8x1024xf32, #tpu.memory_space<vmem>>) dst(%dma_wait3A_663 : memref<8x1024xf32, #tpu.memory_space<hbm>>)
        %add3A_668 = arith.constant 8 : i32
        %add3A_669 = arith.addi %add3A_555, %add3A_668 : i32
        %sub3A_670 = arith.constant 4 : i32
        %sub3A_671 = arith.subi %add3A_669, %sub3A_670 : i32
        %mul3A_672 = arith.constant 8 : i32
        %mul3A_673 = arith.muli %sub3A_671, %mul3A_672 : i32
        %dma_start3A_674 = arith.constant 2 : i32
        %dma_start3A_675 = arith.constant 0 : i32
        %dma_start3A_676 = arith.constant 0 : i32
        %dma_start3A_677 = tpu.memref_slice %arg6[%dma_start3A_674, %dma_start3A_675, %dma_start3A_676] : memref<8x8x1024xf32, #tpu.memory_space<vmem>> -> memref<1x8x1024xf32, #tpu.memory_space<vmem>>
        %dma_start3A_678 = tpu.memref_squeeze %dma_start3A_677 : memref<1x8x1024xf32, #tpu.memory_space<vmem>> -> memref<8x1024xf32, #tpu.memory_space<vmem>>
        %dma_start3A_679 = tpu.memref_slice %arg5[%mul3A_673] : memref<512xi32, #tpu.memory_space<vmem>> -> memref<8xi32, #tpu.memory_space<vmem>>
        %dma_start3A_680 = arith.constant 0 : i32
        %dma_start3A_681 = arith.constant 0 : i32
        %dma_start3A_682 = tpu.memref_slice %arg3[%dma_start3A_680, %dma_start3A_681] : memref<100000x1024xf32, #tpu.memory_space<hbm>> -> memref<100000x1024xf32, #tpu.memory_space<hbm>>
        tpu.enqueue_indirect_dma source(%dma_start3A_682 : memref<100000x1024xf32, #tpu.memory_space<hbm>>) target(%dma_start3A_678 : memref<8x1024xf32, #tpu.memory_space<vmem>>) offsets(%dma_start3A_679 : memref<8xi32, #tpu.memory_space<vmem>>) semaphore(%arg9 : memref<!tpu.dma_semaphore, #tpu.memory_space<semaphore_mem>>)
      } else {
      }
      %mul3A_601 = arith.constant 8 : i32
      %mul3A_602 = arith.muli %scan3A_260, %mul3A_601 : i32
      %add3A_603 = arith.constant 7 : i32
      %add3A_604 = arith.addi %mul3A_602, %add3A_603 : i32
      %dma_wait3A_605 = arith.constant 7 : i32
      %dma_wait3A_606 = arith.constant 0 : i32
      %dma_wait3A_607 = arith.constant 0 : i32
      %dma_wait3A_608 = tpu.memref_slice %arg6[%dma_wait3A_605, %dma_wait3A_606, %dma_wait3A_607] : memref<8x8x1024xf32, #tpu.memory_space<vmem>> -> memref<1x8x1024xf32, #tpu.memory_space<vmem>>
      %dma_wait3A_609 = tpu.memref_squeeze %dma_wait3A_608 : memref<1x8x1024xf32, #tpu.memory_space<vmem>> -> memref<8x1024xf32, #tpu.memory_space<vmem>>
      %dma_wait3A_610 = arith.constant 0 : i32
      %dma_wait3A_611 = arith.constant 0 : i32
      %dma_wait3A_612 = tpu.memref_slice %arg3[%dma_wait3A_610, %dma_wait3A_611] : memref<100000x1024xf32, #tpu.memory_space<hbm>> -> memref<8x1024xf32, #tpu.memory_space<hbm>>
      %dma_wait3A_613 = arith.constant 0 : i32
      %dma_wait3A_614 = arith.constant 0 : i32
      %dma_wait3A_615 = tpu.memref_slice %arg6[%dma_wait3A_605, %dma_wait3A_613, %dma_wait3A_614] : memref<8x8x1024xf32, #tpu.memory_space<vmem>> -> memref<1x8x1024xf32, #tpu.memory_space<vmem>>
      %dma_wait3A_616 = tpu.memref_squeeze %dma_wait3A_615 : memref<1x8x1024xf32, #tpu.memory_space<vmem>> -> memref<8x1024xf32, #tpu.memory_space<vmem>>
      %dma_wait3A_617 = arith.constant 0 : i32
      %dma_wait3A_618 = arith.constant 0 : i32
      %dma_wait3A_619 = tpu.memref_slice %arg3[%dma_wait3A_617, %dma_wait3A_618] : memref<100000x1024xf32, #tpu.memory_space<hbm>> -> memref<8x1024xf32, #tpu.memory_space<hbm>>
      tpu.wait_dma2 semaphore(%arg14 : memref<!tpu.dma_semaphore, #tpu.memory_space<semaphore_mem>>) src(%dma_wait3A_619 : memref<8x1024xf32, #tpu.memory_space<hbm>>) dst(%dma_wait3A_616 : memref<8x1024xf32, #tpu.memory_space<vmem>>)
      %mul3A_620 = arith.constant 8 : i32
      %mul3A_621 = arith.muli %add3A_604, %mul3A_620 : i32
      %add3A_622 = arith.addi %mul3A_32, %mul3A_621 : i32
      %dma_start3A_623 = arith.constant 7 : i32
      %dma_start3A_624 = arith.constant 0 : i32
      %dma_start3A_625 = arith.constant 0 : i32
      %dma_start3A_626 = tpu.memref_slice %arg6[%dma_start3A_623, %dma_start3A_624, %dma_start3A_625] : memref<8x8x1024xf32, #tpu.memory_space<vmem>> -> memref<1x8x1024xf32, #tpu.memory_space<vmem>>
      %dma_start3A_627 = tpu.memref_squeeze %dma_start3A_626 : memref<1x8x1024xf32, #tpu.memory_space<vmem>> -> memref<8x1024xf32, #tpu.memory_space<vmem>>
      %dma_start3A_628 = arith.constant 0 : i32
      %dma_start3A_629 = tpu.memref_slice %arg4[%select_n3A, %add3A_622, %dma_start3A_628] : memref<4x4096x1024xf32, #tpu.memory_space<hbm>> -> memref<1x8x1024xf32, #tpu.memory_space<hbm>>
      %dma_start3A_630 = tpu.memref_squeeze %dma_start3A_629 : memref<1x8x1024xf32, #tpu.memory_space<hbm>> -> memref<8x1024xf32, #tpu.memory_space<hbm>>
      %dma_start3A_631 = arith.constant 0 : i32
      %dma_start3A_632 = tpu.memref_slice %arg4[%select_n3A, %add3A_622, %dma_start3A_631] : memref<4x4096x1024xf32, #tpu.memory_space<hbm>> -> memref<1x8x1024xf32, #tpu.memory_space<hbm>>
      %dma_start3A_633 = tpu.memref_squeeze %dma_start3A_632 : memref<1x8x1024xf32, #tpu.memory_space<hbm>> -> memref<8x1024xf32, #tpu.memory_space<hbm>>
      %dma_start3A_634 = arith.constant 0 : i32
      %dma_start3A_635 = arith.constant 0 : i32
      %dma_start3A_636 = tpu.memref_slice %arg6[%dma_start3A_623, %dma_start3A_634, %dma_start3A_635] : memref<8x8x1024xf32, #tpu.memory_space<vmem>> -> memref<1x8x1024xf32, #tpu.memory_space<vmem>>
      %dma_start3A_637 = tpu.memref_squeeze %dma_start3A_636 : memref<1x8x1024xf32, #tpu.memory_space<vmem>> -> memref<8x1024xf32, #tpu.memory_space<vmem>>
      tpu.enqueue_dma source(%dma_start3A_637 : memref<8x1024xf32, #tpu.memory_space<vmem>>) target(%dma_start3A_633 : memref<8x1024xf32, #tpu.memory_space<hbm>>) target_semaphore(%arg22 : memref<!tpu.dma_semaphore, #tpu.memory_space<semaphore_mem>>)
      %ge3A_638 = arith.constant 4 : i32
      %ge3A_639 = arith.cmpi sge, %add3A_604, %ge3A_638 : i32
      %add3A_640 = arith.constant 8 : i32
      %add3A_641 = arith.addi %add3A_604, %add3A_640 : i32
      %sub3A_642 = arith.constant 4 : i32
      %sub3A_643 = arith.subi %add3A_641, %sub3A_642 : i32
      %lt3A_644 = arith.constant 64 : i32
      %lt3A_645 = arith.cmpi slt, %sub3A_643, %lt3A_644 : i32
      %and3A_646 = arith.andi %ge3A_639, %lt3A_645 : i1
      %convert_element_type3A_647 = arith.extui %and3A_646 : i1 to i32
      %cond3A_648 = arith.constant 0 : i32
      %cond3A_649 = arith.cmpi ne, %convert_element_type3A_647, %cond3A_648 : i32
      scf.if %cond3A_649 {
        %dma_wait3A_650 = arith.constant 3 : i32
        %dma_wait3A_651 = arith.constant 0 : i32
        %dma_wait3A_652 = arith.constant 0 : i32
        %dma_wait3A_653 = arith.constant 0 : i32
        %dma_wait3A_654 = tpu.memref_slice %arg6[%dma_wait3A_650, %dma_wait3A_652, %dma_wait3A_653] : memref<8x8x1024xf32, #tpu.memory_space<vmem>> -> memref<1x8x1024xf32, #tpu.memory_space<vmem>>
        %dma_wait3A_655 = tpu.memref_squeeze %dma_wait3A_654 : memref<1x8x1024xf32, #tpu.memory_space<vmem>> -> memref<8x1024xf32, #tpu.memory_space<vmem>>
        %dma_wait3A_656 = arith.constant 0 : i32
        %dma_wait3A_657 = arith.constant 0 : i32
        %dma_wait3A_658 = tpu.memref_slice %arg4[%dma_wait3A_651, %dma_wait3A_656, %dma_wait3A_657] : memref<4x4096x1024xf32, #tpu.memory_space<hbm>> -> memref<1x8x1024xf32, #tpu.memory_space<hbm>>
        %dma_wait3A_659 = tpu.memref_squeeze %dma_wait3A_658 : memref<1x8x1024xf32, #tpu.memory_space<hbm>> -> memref<8x1024xf32, #tpu.memory_space<hbm>>
        %dma_wait3A_660 = arith.constant 0 : i32
        %dma_wait3A_661 = arith.constant 0 : i32
        %dma_wait3A_662 = tpu.memref_slice %arg4[%dma_wait3A_651, %dma_wait3A_660, %dma_wait3A_661] : memref<4x4096x1024xf32, #tpu.memory_space<hbm>> -> memref<1x8x1024xf32, #tpu.memory_space<hbm>>
        %dma_wait3A_663 = tpu.memref_squeeze %dma_wait3A_662 : memref<1x8x1024xf32, #tpu.memory_space<hbm>> -> memref<8x1024xf32, #tpu.memory_space<hbm>>
        %dma_wait3A_664 = arith.constant 0 : i32
        %dma_wait3A_665 = arith.constant 0 : i32
        %dma_wait3A_666 = tpu.memref_slice %arg6[%dma_wait3A_650, %dma_wait3A_664, %dma_wait3A_665] : memref<8x8x1024xf32, #tpu.memory_space<vmem>> -> memref<1x8x1024xf32, #tpu.memory_space<vmem>>
        %dma_wait3A_667 = tpu.memref_squeeze %dma_wait3A_666 : memref<1x8x1024xf32, #tpu.memory_space<vmem>> -> memref<8x1024xf32, #tpu.memory_space<vmem>>
        tpu.wait_dma2 semaphore(%arg18 : memref<!tpu.dma_semaphore, #tpu.memory_space<semaphore_mem>>) src(%dma_wait3A_667 : memref<8x1024xf32, #tpu.memory_space<vmem>>) dst(%dma_wait3A_663 : memref<8x1024xf32, #tpu.memory_space<hbm>>)
        %add3A_668 = arith.constant 8 : i32
        %add3A_669 = arith.addi %add3A_604, %add3A_668 : i32
        %sub3A_670 = arith.constant 4 : i32
        %sub3A_671 = arith.subi %add3A_669, %sub3A_670 : i32
        %mul3A_672 = arith.constant 8 : i32
        %mul3A_673 = arith.muli %sub3A_671, %mul3A_672 : i32
        %dma_start3A_674 = arith.constant 3 : i32
        %dma_start3A_675 = arith.constant 0 : i32
        %dma_start3A_676 = arith.constant 0 : i32
        %dma_start3A_677 = tpu.memref_slice %arg6[%dma_start3A_674, %dma_start3A_675, %dma_start3A_676] : memref<8x8x1024xf32, #tpu.memory_space<vmem>> -> memref<1x8x1024xf32, #tpu.memory_space<vmem>>
        %dma_start3A_678 = tpu.memref_squeeze %dma_start3A_677 : memref<1x8x1024xf32, #tpu.memory_space<vmem>> -> memref<8x1024xf32, #tpu.memory_space<vmem>>
        %dma_start3A_679 = tpu.memref_slice %arg5[%mul3A_673] : memref<512xi32, #tpu.memory_space<vmem>> -> memref<8xi32, #tpu.memory_space<vmem>>
        %dma_start3A_680 = arith.constant 0 : i32
        %dma_start3A_681 = arith.constant 0 : i32
        %dma_start3A_682 = tpu.memref_slice %arg3[%dma_start3A_680, %dma_start3A_681] : memref<100000x1024xf32, #tpu.memory_space<hbm>> -> memref<100000x1024xf32, #tpu.memory_space<hbm>>
        tpu.enqueue_indirect_dma source(%dma_start3A_682 : memref<100000x1024xf32, #tpu.memory_space<hbm>>) target(%dma_start3A_678 : memref<8x1024xf32, #tpu.memory_space<vmem>>) offsets(%dma_start3A_679 : memref<8xi32, #tpu.memory_space<vmem>>) semaphore(%arg10 : memref<!tpu.dma_semaphore, #tpu.memory_space<semaphore_mem>>)
      } else {
      }
    }
    %scan3A_116 = arith.constant 8 : i32
    %dma_wait3A = arith.constant 0 : i32
    %dma_wait3A_117 = arith.constant 0 : i32
    %dma_wait3A_118 = arith.constant 0 : i32
    %dma_wait3A_119 = arith.constant 0 : i32
    %dma_wait3A_120 = tpu.memref_slice %arg6[%dma_wait3A, %dma_wait3A_118, %dma_wait3A_119] : memref<8x8x1024xf32, #tpu.memory_space<vmem>> -> memref<1x8x1024xf32, #tpu.memory_space<vmem>>
    %dma_wait3A_121 = tpu.memref_squeeze %dma_wait3A_120 : memref<1x8x1024xf32, #tpu.memory_space<vmem>> -> memref<8x1024xf32, #tpu.memory_space<vmem>>
    %dma_wait3A_122 = arith.constant 0 : i32
    %dma_wait3A_123 = arith.constant 0 : i32
    %dma_wait3A_124 = tpu.memref_slice %arg4[%dma_wait3A_117, %dma_wait3A_122, %dma_wait3A_123] : memref<4x4096x1024xf32, #tpu.memory_space<hbm>> -> memref<1x8x1024xf32, #tpu.memory_space<hbm>>
    %dma_wait3A_125 = tpu.memref_squeeze %dma_wait3A_124 : memref<1x8x1024xf32, #tpu.memory_space<hbm>> -> memref<8x1024xf32, #tpu.memory_space<hbm>>
    %dma_wait3A_126 = arith.constant 0 : i32
    %dma_wait3A_127 = arith.constant 0 : i32
    %dma_wait3A_128 = tpu.memref_slice %arg4[%dma_wait3A_117, %dma_wait3A_126, %dma_wait3A_127] : memref<4x4096x1024xf32, #tpu.memory_space<hbm>> -> memref<1x8x1024xf32, #tpu.memory_space<hbm>>
    %dma_wait3A_129 = tpu.memref_squeeze %dma_wait3A_128 : memref<1x8x1024xf32, #tpu.memory_space<hbm>> -> memref<8x1024xf32, #tpu.memory_space<hbm>>
    %dma_wait3A_130 = arith.constant 0 : i32
    %dma_wait3A_131 = arith.constant 0 : i32
    %dma_wait3A_132 = tpu.memref_slice %arg6[%dma_wait3A, %dma_wait3A_130, %dma_wait3A_131] : memref<8x8x1024xf32, #tpu.memory_space<vmem>> -> memref<1x8x1024xf32, #tpu.memory_space<vmem>>
    %dma_wait3A_133 = tpu.memref_squeeze %dma_wait3A_132 : memref<1x8x1024xf32, #tpu.memory_space<vmem>> -> memref<8x1024xf32, #tpu.memory_space<vmem>>
    tpu.wait_dma2 semaphore(%arg15 : memref<!tpu.dma_semaphore, #tpu.memory_space<semaphore_mem>>) src(%dma_wait3A_133 : memref<8x1024xf32, #tpu.memory_space<vmem>>) dst(%dma_wait3A_129 : memref<8x1024xf32, #tpu.memory_space<hbm>>)
    %dma_wait3A_134 = arith.constant 1 : i32
    %dma_wait3A_135 = arith.constant 0 : i32
    %dma_wait3A_136 = arith.constant 0 : i32
    %dma_wait3A_137 = arith.constant 0 : i32
    %dma_wait3A_138 = tpu.memref_slice %arg6[%dma_wait3A_134, %dma_wait3A_136, %dma_wait3A_137] : memref<8x8x1024xf32, #tpu.memory_space<vmem>> -> memref<1x8x1024xf32, #tpu.memory_space<vmem>>
    %dma_wait3A_139 = tpu.memref_squeeze %dma_wait3A_138 : memref<1x8x1024xf32, #tpu.memory_space<vmem>> -> memref<8x1024xf32, #tpu.memory_space<vmem>>
    %dma_wait3A_140 = arith.constant 0 : i32
    %dma_wait3A_141 = arith.constant 0 : i32
    %dma_wait3A_142 = tpu.memref_slice %arg4[%dma_wait3A_135, %dma_wait3A_140, %dma_wait3A_141] : memref<4x4096x1024xf32, #tpu.memory_space<hbm>> -> memref<1x8x1024xf32, #tpu.memory_space<hbm>>
    %dma_wait3A_143 = tpu.memref_squeeze %dma_wait3A_142 : memref<1x8x1024xf32, #tpu.memory_space<hbm>> -> memref<8x1024xf32, #tpu.memory_space<hbm>>
    %dma_wait3A_144 = arith.constant 0 : i32
    %dma_wait3A_145 = arith.constant 0 : i32
    %dma_wait3A_146 = tpu.memref_slice %arg4[%dma_wait3A_135, %dma_wait3A_144, %dma_wait3A_145] : memref<4x4096x1024xf32, #tpu.memory_space<hbm>> -> memref<1x8x1024xf32, #tpu.memory_space<hbm>>
    %dma_wait3A_147 = tpu.memref_squeeze %dma_wait3A_146 : memref<1x8x1024xf32, #tpu.memory_space<hbm>> -> memref<8x1024xf32, #tpu.memory_space<hbm>>
    %dma_wait3A_148 = arith.constant 0 : i32
    %dma_wait3A_149 = arith.constant 0 : i32
    %dma_wait3A_150 = tpu.memref_slice %arg6[%dma_wait3A_134, %dma_wait3A_148, %dma_wait3A_149] : memref<8x8x1024xf32, #tpu.memory_space<vmem>> -> memref<1x8x1024xf32, #tpu.memory_space<vmem>>
    %dma_wait3A_151 = tpu.memref_squeeze %dma_wait3A_150 : memref<1x8x1024xf32, #tpu.memory_space<vmem>> -> memref<8x1024xf32, #tpu.memory_space<vmem>>
    tpu.wait_dma2 semaphore(%arg16 : memref<!tpu.dma_semaphore, #tpu.memory_space<semaphore_mem>>) src(%dma_wait3A_151 : memref<8x1024xf32, #tpu.memory_space<vmem>>) dst(%dma_wait3A_147 : memref<8x1024xf32, #tpu.memory_space<hbm>>)
    %dma_wait3A_152 = arith.constant 2 : i32
    %dma_wait3A_153 = arith.constant 0 : i32
    %dma_wait3A_154 = arith.constant 0 : i32
    %dma_wait3A_155 = arith.constant 0 : i32
    %dma_wait3A_156 = tpu.memref_slice %arg6[%dma_wait3A_152, %dma_wait3A_154, %dma_wait3A_155] : memref<8x8x1024xf32, #tpu.memory_space<vmem>> -> memref<1x8x1024xf32, #tpu.memory_space<vmem>>
    %dma_wait3A_157 = tpu.memref_squeeze %dma_wait3A_156 : memref<1x8x1024xf32, #tpu.memory_space<vmem>> -> memref<8x1024xf32, #tpu.memory_space<vmem>>
    %dma_wait3A_158 = arith.constant 0 : i32
    %dma_wait3A_159 = arith.constant 0 : i32
    %dma_wait3A_160 = tpu.memref_slice %arg4[%dma_wait3A_153, %dma_wait3A_158, %dma_wait3A_159] : memref<4x4096x1024xf32, #tpu.memory_space<hbm>> -> memref<1x8x1024xf32, #tpu.memory_space<hbm>>
    %dma_wait3A_161 = tpu.memref_squeeze %dma_wait3A_160 : memref<1x8x1024xf32, #tpu.memory_space<hbm>> -> memref<8x1024xf32, #tpu.memory_space<hbm>>
    %dma_wait3A_162 = arith.constant 0 : i32
    %dma_wait3A_163 = arith.constant 0 : i32
    %dma_wait3A_164 = tpu.memref_slice %arg4[%dma_wait3A_153, %dma_wait3A_162, %dma_wait3A_163] : memref<4x4096x1024xf32, #tpu.memory_space<hbm>> -> memref<1x8x1024xf32, #tpu.memory_space<hbm>>
    %dma_wait3A_165 = tpu.memref_squeeze %dma_wait3A_164 : memref<1x8x1024xf32, #tpu.memory_space<hbm>> -> memref<8x1024xf32, #tpu.memory_space<hbm>>
    %dma_wait3A_166 = arith.constant 0 : i32
    %dma_wait3A_167 = arith.constant 0 : i32
    %dma_wait3A_168 = tpu.memref_slice %arg6[%dma_wait3A_152, %dma_wait3A_166, %dma_wait3A_167] : memref<8x8x1024xf32, #tpu.memory_space<vmem>> -> memref<1x8x1024xf32, #tpu.memory_space<vmem>>
    %dma_wait3A_169 = tpu.memref_squeeze %dma_wait3A_168 : memref<1x8x1024xf32, #tpu.memory_space<vmem>> -> memref<8x1024xf32, #tpu.memory_space<vmem>>
    tpu.wait_dma2 semaphore(%arg17 : memref<!tpu.dma_semaphore, #tpu.memory_space<semaphore_mem>>) src(%dma_wait3A_169 : memref<8x1024xf32, #tpu.memory_space<vmem>>) dst(%dma_wait3A_165 : memref<8x1024xf32, #tpu.memory_space<hbm>>)
    %dma_wait3A_170 = arith.constant 3 : i32
    %dma_wait3A_171 = arith.constant 0 : i32
    %dma_wait3A_172 = arith.constant 0 : i32
    %dma_wait3A_173 = arith.constant 0 : i32
    %dma_wait3A_174 = tpu.memref_slice %arg6[%dma_wait3A_170, %dma_wait3A_172, %dma_wait3A_173] : memref<8x8x1024xf32, #tpu.memory_space<vmem>> -> memref<1x8x1024xf32, #tpu.memory_space<vmem>>
    %dma_wait3A_175 = tpu.memref_squeeze %dma_wait3A_174 : memref<1x8x1024xf32, #tpu.memory_space<vmem>> -> memref<8x1024xf32, #tpu.memory_space<vmem>>
    %dma_wait3A_176 = arith.constant 0 : i32
    %dma_wait3A_177 = arith.constant 0 : i32
    %dma_wait3A_178 = tpu.memref_slice %arg4[%dma_wait3A_171, %dma_wait3A_176, %dma_wait3A_177] : memref<4x4096x1024xf32, #tpu.memory_space<hbm>> -> memref<1x8x1024xf32, #tpu.memory_space<hbm>>
    %dma_wait3A_179 = tpu.memref_squeeze %dma_wait3A_178 : memref<1x8x1024xf32, #tpu.memory_space<hbm>> -> memref<8x1024xf32, #tpu.memory_space<hbm>>
    %dma_wait3A_180 = arith.constant 0 : i32
    %dma_wait3A_181 = arith.constant 0 : i32
    %dma_wait3A_182 = tpu.memref_slice %arg4[%dma_wait3A_171, %dma_wait3A_180, %dma_wait3A_181] : memref<4x4096x1024xf32, #tpu.memory_space<hbm>> -> memref<1x8x1024xf32, #tpu.memory_space<hbm>>
    %dma_wait3A_183 = tpu.memref_squeeze %dma_wait3A_182 : memref<1x8x1024xf32, #tpu.memory_space<hbm>> -> memref<8x1024xf32, #tpu.memory_space<hbm>>
    %dma_wait3A_184 = arith.constant 0 : i32
    %dma_wait3A_185 = arith.constant 0 : i32
    %dma_wait3A_186 = tpu.memref_slice %arg6[%dma_wait3A_170, %dma_wait3A_184, %dma_wait3A_185] : memref<8x8x1024xf32, #tpu.memory_space<vmem>> -> memref<1x8x1024xf32, #tpu.memory_space<vmem>>
    %dma_wait3A_187 = tpu.memref_squeeze %dma_wait3A_186 : memref<1x8x1024xf32, #tpu.memory_space<vmem>> -> memref<8x1024xf32, #tpu.memory_space<vmem>>
    tpu.wait_dma2 semaphore(%arg18 : memref<!tpu.dma_semaphore, #tpu.memory_space<semaphore_mem>>) src(%dma_wait3A_187 : memref<8x1024xf32, #tpu.memory_space<vmem>>) dst(%dma_wait3A_183 : memref<8x1024xf32, #tpu.memory_space<hbm>>)
    %dma_wait3A_188 = arith.constant 4 : i32
    %dma_wait3A_189 = arith.constant 0 : i32
    %dma_wait3A_190 = arith.constant 0 : i32
    %dma_wait3A_191 = arith.constant 0 : i32
    %dma_wait3A_192 = tpu.memref_slice %arg6[%dma_wait3A_188, %dma_wait3A_190, %dma_wait3A_191] : memref<8x8x1024xf32, #tpu.memory_space<vmem>> -> memref<1x8x1024xf32, #tpu.memory_space<vmem>>
    %dma_wait3A_193 = tpu.memref_squeeze %dma_wait3A_192 : memref<1x8x1024xf32, #tpu.memory_space<vmem>> -> memref<8x1024xf32, #tpu.memory_space<vmem>>
    %dma_wait3A_194 = arith.constant 0 : i32
    %dma_wait3A_195 = arith.constant 0 : i32
    %dma_wait3A_196 = tpu.memref_slice %arg4[%dma_wait3A_189, %dma_wait3A_194, %dma_wait3A_195] : memref<4x4096x1024xf32, #tpu.memory_space<hbm>> -> memref<1x8x1024xf32, #tpu.memory_space<hbm>>
    %dma_wait3A_197 = tpu.memref_squeeze %dma_wait3A_196 : memref<1x8x1024xf32, #tpu.memory_space<hbm>> -> memref<8x1024xf32, #tpu.memory_space<hbm>>
    %dma_wait3A_198 = arith.constant 0 : i32
    %dma_wait3A_199 = arith.constant 0 : i32
    %dma_wait3A_200 = tpu.memref_slice %arg4[%dma_wait3A_189, %dma_wait3A_198, %dma_wait3A_199] : memref<4x4096x1024xf32, #tpu.memory_space<hbm>> -> memref<1x8x1024xf32, #tpu.memory_space<hbm>>
    %dma_wait3A_201 = tpu.memref_squeeze %dma_wait3A_200 : memref<1x8x1024xf32, #tpu.memory_space<hbm>> -> memref<8x1024xf32, #tpu.memory_space<hbm>>
    %dma_wait3A_202 = arith.constant 0 : i32
    %dma_wait3A_203 = arith.constant 0 : i32
    %dma_wait3A_204 = tpu.memref_slice %arg6[%dma_wait3A_188, %dma_wait3A_202, %dma_wait3A_203] : memref<8x8x1024xf32, #tpu.memory_space<vmem>> -> memref<1x8x1024xf32, #tpu.memory_space<vmem>>
    %dma_wait3A_205 = tpu.memref_squeeze %dma_wait3A_204 : memref<1x8x1024xf32, #tpu.memory_space<vmem>> -> memref<8x1024xf32, #tpu.memory_space<vmem>>
    tpu.wait_dma2 semaphore(%arg19 : memref<!tpu.dma_semaphore, #tpu.memory_space<semaphore_mem>>) src(%dma_wait3A_205 : memref<8x1024xf32, #tpu.memory_space<vmem>>) dst(%dma_wait3A_201 : memref<8x1024xf32, #tpu.memory_space<hbm>>)
    %dma_wait3A_206 = arith.constant 5 : i32
    %dma_wait3A_207 = arith.constant 0 : i32
    %dma_wait3A_208 = arith.constant 0 : i32
    %dma_wait3A_209 = arith.constant 0 : i32
    %dma_wait3A_210 = tpu.memref_slice %arg6[%dma_wait3A_206, %dma_wait3A_208, %dma_wait3A_209] : memref<8x8x1024xf32, #tpu.memory_space<vmem>> -> memref<1x8x1024xf32, #tpu.memory_space<vmem>>
    %dma_wait3A_211 = tpu.memref_squeeze %dma_wait3A_210 : memref<1x8x1024xf32, #tpu.memory_space<vmem>> -> memref<8x1024xf32, #tpu.memory_space<vmem>>
    %dma_wait3A_212 = arith.constant 0 : i32
    %dma_wait3A_213 = arith.constant 0 : i32
    %dma_wait3A_214 = tpu.memref_slice %arg4[%dma_wait3A_207, %dma_wait3A_212, %dma_wait3A_213] : memref<4x4096x1024xf32, #tpu.memory_space<hbm>> -> memref<1x8x1024xf32, #tpu.memory_space<hbm>>
    %dma_wait3A_215 = tpu.memref_squeeze %dma_wait3A_214 : memref<1x8x1024xf32, #tpu.memory_space<hbm>> -> memref<8x1024xf32, #tpu.memory_space<hbm>>
    %dma_wait3A_216 = arith.constant 0 : i32
    %dma_wait3A_217 = arith.constant 0 : i32
    %dma_wait3A_218 = tpu.memref_slice %arg4[%dma_wait3A_207, %dma_wait3A_216, %dma_wait3A_217] : memref<4x4096x1024xf32, #tpu.memory_space<hbm>> -> memref<1x8x1024xf32, #tpu.memory_space<hbm>>
    %dma_wait3A_219 = tpu.memref_squeeze %dma_wait3A_218 : memref<1x8x1024xf32, #tpu.memory_space<hbm>> -> memref<8x1024xf32, #tpu.memory_space<hbm>>
    %dma_wait3A_220 = arith.constant 0 : i32
    %dma_wait3A_221 = arith.constant 0 : i32
    %dma_wait3A_222 = tpu.memref_slice %arg6[%dma_wait3A_206, %dma_wait3A_220, %dma_wait3A_221] : memref<8x8x1024xf32, #tpu.memory_space<vmem>> -> memref<1x8x1024xf32, #tpu.memory_space<vmem>>
    %dma_wait3A_223 = tpu.memref_squeeze %dma_wait3A_222 : memref<1x8x1024xf32, #tpu.memory_space<vmem>> -> memref<8x1024xf32, #tpu.memory_space<vmem>>
    tpu.wait_dma2 semaphore(%arg20 : memref<!tpu.dma_semaphore, #tpu.memory_space<semaphore_mem>>) src(%dma_wait3A_223 : memref<8x1024xf32, #tpu.memory_space<vmem>>) dst(%dma_wait3A_219 : memref<8x1024xf32, #tpu.memory_space<hbm>>)
    %dma_wait3A_224 = arith.constant 6 : i32
    %dma_wait3A_225 = arith.constant 0 : i32
    %dma_wait3A_226 = arith.constant 0 : i32
    %dma_wait3A_227 = arith.constant 0 : i32
    %dma_wait3A_228 = tpu.memref_slice %arg6[%dma_wait3A_224, %dma_wait3A_226, %dma_wait3A_227] : memref<8x8x1024xf32, #tpu.memory_space<vmem>> -> memref<1x8x1024xf32, #tpu.memory_space<vmem>>
    %dma_wait3A_229 = tpu.memref_squeeze %dma_wait3A_228 : memref<1x8x1024xf32, #tpu.memory_space<vmem>> -> memref<8x1024xf32, #tpu.memory_space<vmem>>
    %dma_wait3A_230 = arith.constant 0 : i32
    %dma_wait3A_231 = arith.constant 0 : i32
    %dma_wait3A_232 = tpu.memref_slice %arg4[%dma_wait3A_225, %dma_wait3A_230, %dma_wait3A_231] : memref<4x4096x1024xf32, #tpu.memory_space<hbm>> -> memref<1x8x1024xf32, #tpu.memory_space<hbm>>
    %dma_wait3A_233 = tpu.memref_squeeze %dma_wait3A_232 : memref<1x8x1024xf32, #tpu.memory_space<hbm>> -> memref<8x1024xf32, #tpu.memory_space<hbm>>
    %dma_wait3A_234 = arith.constant 0 : i32
    %dma_wait3A_235 = arith.constant 0 : i32
    %dma_wait3A_236 = tpu.memref_slice %arg4[%dma_wait3A_225, %dma_wait3A_234, %dma_wait3A_235] : memref<4x4096x1024xf32, #tpu.memory_space<hbm>> -> memref<1x8x1024xf32, #tpu.memory_space<hbm>>
    %dma_wait3A_237 = tpu.memref_squeeze %dma_wait3A_236 : memref<1x8x1024xf32, #tpu.memory_space<hbm>> -> memref<8x1024xf32, #tpu.memory_space<hbm>>
    %dma_wait3A_238 = arith.constant 0 : i32
    %dma_wait3A_239 = arith.constant 0 : i32
    %dma_wait3A_240 = tpu.memref_slice %arg6[%dma_wait3A_224, %dma_wait3A_238, %dma_wait3A_239] : memref<8x8x1024xf32, #tpu.memory_space<vmem>> -> memref<1x8x1024xf32, #tpu.memory_space<vmem>>
    %dma_wait3A_241 = tpu.memref_squeeze %dma_wait3A_240 : memref<1x8x1024xf32, #tpu.memory_space<vmem>> -> memref<8x1024xf32, #tpu.memory_space<vmem>>
    tpu.wait_dma2 semaphore(%arg21 : memref<!tpu.dma_semaphore, #tpu.memory_space<semaphore_mem>>) src(%dma_wait3A_241 : memref<8x1024xf32, #tpu.memory_space<vmem>>) dst(%dma_wait3A_237 : memref<8x1024xf32, #tpu.memory_space<hbm>>)
    %dma_wait3A_242 = arith.constant 7 : i32
    %dma_wait3A_243 = arith.constant 0 : i32
    %dma_wait3A_244 = arith.constant 0 : i32
    %dma_wait3A_245 = arith.constant 0 : i32
    %dma_wait3A_246 = tpu.memref_slice %arg6[%dma_wait3A_242, %dma_wait3A_244, %dma_wait3A_245] : memref<8x8x1024xf32, #tpu.memory_space<vmem>> -> memref<1x8x1024xf32, #tpu.memory_space<vmem>>
    %dma_wait3A_247 = tpu.memref_squeeze %dma_wait3A_246 : memref<1x8x1024xf32, #tpu.memory_space<vmem>> -> memref<8x1024xf32, #tpu.memory_space<vmem>>
    %dma_wait3A_248 = arith.constant 0 : i32
    %dma_wait3A_249 = arith.constant 0 : i32
    %dma_wait3A_250 = tpu.memref_slice %arg4[%dma_wait3A_243, %dma_wait3A_248, %dma_wait3A_249] : memref<4x4096x1024xf32, #tpu.memory_space<hbm>> -> memref<1x8x1024xf32, #tpu.memory_space<hbm>>
    %dma_wait3A_251 = tpu.memref_squeeze %dma_wait3A_250 : memref<1x8x1024xf32, #tpu.memory_space<hbm>> -> memref<8x1024xf32, #tpu.memory_space<hbm>>
    %dma_wait3A_252 = arith.constant 0 : i32
    %dma_wait3A_253 = arith.constant 0 : i32
    %dma_wait3A_254 = tpu.memref_slice %arg4[%dma_wait3A_243, %dma_wait3A_252, %dma_wait3A_253] : memref<4x4096x1024xf32, #tpu.memory_space<hbm>> -> memref<1x8x1024xf32, #tpu.memory_space<hbm>>
    %dma_wait3A_255 = tpu.memref_squeeze %dma_wait3A_254 : memref<1x8x1024xf32, #tpu.memory_space<hbm>> -> memref<8x1024xf32, #tpu.memory_space<hbm>>
    %dma_wait3A_256 = arith.constant 0 : i32
    %dma_wait3A_257 = arith.constant 0 : i32
    %dma_wait3A_258 = tpu.memref_slice %arg6[%dma_wait3A_242, %dma_wait3A_256, %dma_wait3A_257] : memref<8x8x1024xf32, #tpu.memory_space<vmem>> -> memref<1x8x1024xf32, #tpu.memory_space<vmem>>
    %dma_wait3A_259 = tpu.memref_squeeze %dma_wait3A_258 : memref<1x8x1024xf32, #tpu.memory_space<vmem>> -> memref<8x1024xf32, #tpu.memory_space<vmem>>
    tpu.wait_dma2 semaphore(%arg22 : memref<!tpu.dma_semaphore, #tpu.memory_space<semaphore_mem>>) src(%dma_wait3A_259 : memref<8x1024xf32, #tpu.memory_space<vmem>>) dst(%dma_wait3A_255 : memref<8x1024xf32, #tpu.memory_space<hbm>>)
    return
  }
}

</mosaic_0001>

<sc_bundles>
// kernel: kernel.3.cloned.1.call-start
scs
__scs_entry_jumppad:
0x0: {  	(pc) =	sbr.rel $0x88, $3  }
0x1: {  	(tag) =	ssettag $0x0;
	lr =	simm.s32 $0x1  }
0x2: {  	[smem:$0x3F9F] =	sst lr;
	_ =	strace $0xD0000000  }
0x3: {  	_ = 	snop  }
0x4: {  	_ = 	snop  }
0x5: {  	_ = 	snop  }
0x6: {  	_ = 	snop  }
0x7: {  	_ = 	snop  }
__scs_overlays_trampoline_lowered:
0x8: {  	[smem:$0x3FAE] =	sst s0  }
0x9: {  	[smem:$0x3FAF] =	sst s1  }
0xa: {  	[smem:$0x3FB0] =	sst s2  }
0xb: {  	[smem:$0x3FB1] =	sst s3  }
0xc: {  	[smem:$0x3FB2] =	sst s4  }
0xd: {  	[smem:$0x3FB3] =	sst s5  }
0xe: {  	[smem:$0x3FB4] =	sst s6  }
0xf: {  	[smem:$0x3FB5] =	sst s7  }
0x10: {  	[smem:$0x3FB6] =	sst s8  }
0x11: {  	[smem:$0x3FB7] =	sst s9;
	s0 =	simm.s32 @!p0 $0x0  }
0x12: {  	s1 =	sld [smem:$0x3F9D];
	s0 =	simm.s32 @p0 $0x1  }
0x13: {  	[smem:$0x3FB8] =	sst s0;
	s0 =	simm.s32 @!p1 $0x0  }
0x14: {  	s2 =	sld [smem:$0x3F9C];
	s0 =	simm.s32 @p1 $0x1  }
0x15: {  	[smem:$0x3FB9] =	sst s0;
	s0 =	simm.s32 @!p2 $0x0  }
0x16: {  	s3 =	sld [smem:$0x3FDB];
	s0 =	simm.s32 @p2 $0x1  }
0x17: {  	s4 =	simm.s32 $0x1BF5;
	[smem:$0x3FBB] =	sst s0  }
0x18: {  	s0 =	sld [smem:$0x3F9E];
	_ =	swait.ge [sflag:s4], $0x0  }
0x19: {  	s7 =	sld [smem:$0x3F9F]  }
0x1a: {  	s8 =	sadd.s32 $0xFFFFE003, lr  }
0x1b: {  	s9 =	sadd.s32 $0xFFFFFEF7, lr;
	s5 =	simm.s32 $0xFFFFFFFF;
	p2 =	slt.u32 s8, $0xFFFFF086  }
0x1c: {  	p1 =	slt.u32 s9, $0xF7A;
	s5 =	simm.s32 @!p2 $0x0  }
0x1d: {  	s5 =	simm.s32 @p1 $0x1;
	p0 =	seq.s32 s7, s2  }
0x1e: {  	s7 =	smul.u32 @!p0 $0xF7A, s2;
	p2 =	seq.s32 @!p0 s5, $0x0  }
0x1f: {  	s9 =	smul.u32 $0xF7A, s1;
	s8 =	simm.s32 @!p0 $0x1BF5;
	p2 =	por !p2, p0  }
0x20: {  	[sflag:s8] =	ssyncset.s32 @!p0 $0xFFFFF086;
	s6 =	sadd.s32 @!p0 s3, s7;
	s7 =	simm.s32 @!p0 $0x108  }
0x21: {  	s3 =	sadd.s32 s3, s9;
	s6 =	sadd.s32 @!p0 $0x88, s6;
	s7 =	simm.s32 @p2 $0x1082  }
0x22: {  	[simem:s7], [sflag:s8] =	dma.local @!p0 [hbm:s6], $0xF7A  }
0x23: {  	s9 =	sor.u32 $0xD0000000, s2;
	s6 =	simm.s32 $0x108;
	_ =	swait.ge @!p0 [sflag:s8], $0x0  }
0x24: {  	s3 =	sadd.s32 $0x88, s3;
	s6 =	simm.s32 @!p1 $0x1082;
	[sflag:s4] =	ssyncset.s32 $0xFFFFF086  }
0x25: {  	[simem:s6], [sflag:s4] =	dma.local [hbm:s3], $0xF7A  }
0x26: {  	[smem:$0x3F9F] =	sst s1;
	(tag) =	ssettag s2;
	_ =	strace s9  }
0x27: {  	s1 =	sld [smem:$0x3FAF]  }
0x28: {  	s2 =	sld [smem:$0x3FB0]  }
0x29: {  	s4 =	sld [smem:$0x3FB2]  }
0x2a: {  	p0 =	seq.s32 s5, $0x0;
	s5 =	sld [smem:$0x3FB3]  }
0x2b: {  	s6 =	sld [smem:$0x3FB4]  }
0x2c: {  	s7 =	sld [smem:$0x3FB5]  }
0x2d: {  	s3 =	simm.s32 $0x108;
	s8 =	sld [smem:$0x3FB6]  }
0x2e: {  	s3 =	simm.s32 @!p0 $0x1082;
	s9 =	sld [smem:$0x3FB7]  }
0x2f: {  	lr =	sadd.s32 s0, s3;
	s0 =	sld [smem:$0x3FAE]  }
0x30: {  	s3 =	sld [smem:$0x3FB1]  }
0x31: {  	[smem:$0x3FBA] =	sst s10  }
0x32: {  	s10 =	sld [smem:$0x3FB8];
	_ =	sdelay $0x3  }
0x33: {  	p0 =	seq.s32 s10, $0x1;
	s10 =	sld [smem:$0x3FBA];
	_ =	sdelay $0x3  }
0x34: {  	[smem:$0x3FBA] =	sst s10  }
0x35: {  	s10 =	sld [smem:$0x3FB9];
	_ =	sdelay $0x3  }
0x36: {  	p1 =	seq.s32 s10, $0x1;
	s10 =	sld [smem:$0x3FBA];
	_ =	sdelay $0x3  }
0x37: {  	[smem:$0x3FBA] =	sst s10  }
0x38: {  	s10 =	sld [smem:$0x3FBB]  }
0x39: {  	_ = 	snop;
	(pc) =	sbr.ind lr, $3  }
0x3a: {  	_ = 	snop  }
0x3b: {  	_ = 	snop  }
0x3c: {  	p2 =	seq.s32 s10, $0x1;
	s10 =	sld [smem:$0x3FBA]  }
0x3d: {  	_ =	shalt  }
0x3e: {  	_ =	shalt  }
0x3f: {  	_ =	shalt  }
0x40: {  	_ =	shalt  }
0x41: {  	_ =	shalt  }
0x42: {  	_ =	shalt  }
0x43: {  	_ =	shalt  }
0x44: {  	_ =	shalt  }
0x45: {  	_ =	shalt  }
0x46: {  	_ =	shalt  }
0x47: {  	_ =	shalt  }
0x48: {  	_ =	shalt  }
0x49: {  	_ =	shalt  }
0x4a: {  	_ =	shalt  }
0x4b: {  	_ =	shalt  }
0x4c: {  	_ =	shalt  }
0x4d: {  	_ =	shalt  }
0x4e: {  	_ =	shalt  }
0x4f: {  	_ =	shalt  }
0x50: {  	_ =	shalt  }
0x51: {  	_ =	shalt  }
0x52: {  	_ =	shalt  }
0x53: {  	_ =	shalt  }
0x54: {  	_ =	shalt  }
0x55: {  	_ =	shalt  }
0x56: {  	_ =	shalt  }
0x57: {  	_ =	shalt  }
0x58: {  	_ =	shalt  }
0x59: {  	_ =	shalt  }
0x5a: {  	_ =	shalt  }
0x5b: {  	_ =	shalt  }
0x5c: {  	_ =	shalt  }
0x5d: {  	_ =	shalt  }
0x5e: {  	_ =	shalt  }
0x5f: {  	_ =	shalt  }
0x60: {  	_ =	shalt  }
0x61: {  	_ =	shalt  }
0x62: {  	_ =	shalt  }
0x63: {  	_ =	shalt  }
0x64: {  	_ =	shalt  }
0x65: {  	_ =	shalt  }
0x66: {  	_ =	shalt  }
0x67: {  	_ =	shalt  }
0x68: {  	_ =	shalt  }
0x69: {  	_ =	shalt  }
0x6a: {  	_ =	shalt  }
0x6b: {  	_ =	shalt  }
0x6c: {  	_ =	shalt  }
0x6d: {  	_ =	shalt  }
0x6e: {  	_ =	shalt  }
0x6f: {  	_ =	shalt  }
0x70: {  	_ =	shalt  }
0x71: {  	_ =	shalt  }
0x72: {  	_ =	shalt  }
0x73: {  	_ =	shalt  }
0x74: {  	_ =	shalt  }
0x75: {  	_ =	shalt  }
0x76: {  	_ =	shalt  }
0x77: {  	_ =	shalt  }
0x78: {  	_ =	shalt  }
0x79: {  	_ =	shalt  }
0x7a: {  	_ =	shalt  }
0x7b: {  	_ =	shalt  }
0x7c: {  	_ =	shalt  }
0x7d: {  	_ =	shalt  }
0x7e: {  	_ =	shalt  }
0x7f: {  	_ =	shalt  }
0x80: {  	_ =	shalt  }
0x81: {  	_ =	shalt  }
0x82: {  	_ =	shalt  }
0x83: {  	_ =	shalt  }
0x84: {  	_ =	shalt  }
0x85: {  	_ =	shalt  }
0x86: {  	_ =	shalt  }
0x87: {  	_ =	shalt  }
.Lfunc_end0:
.L_simem_size_0:
called_computation_lowered:
.L_overlay_start_0:
0x88: {  	s2 =	sld [smem:$0x3FD9]  }
0x89: {  	s3 =	sld [smem:$0x3FFE];
	_ =	sdelay $0x1  }
0x8a: {  	s1 =	srdreg.scid  }
0x8b: {  	s0 =	sand.u32 $0x1, s1  }
0x8c: {  	s18 =	sshll.u32 s0, $0xA;
	s2 =	sadd.s32 s3, s2  }
0x8d: {  	s2 =	sadd.s32 s2, s18  }
0x8e: {  	[smem:$0x3FC6] =	sst s2  }
0x8f: {  	_ = 	snop  }
0x90: {  	s2 =	sld [smem:$0x3FC9]  }
0x91: {  	s19 =	sld [smem:$0x3FC8]  }
0x92: {  	s4 =	sld [smem:$0x3FD0];
	(tm) =	ssettm $0x1  }
0x93: {  	s5 =	sld [smem:$0x3FFB];
	_ =	sdelay $0x3  }
0x94: {  	_ =	strace s5  }
0x95: {  	s5 =	sld [smem:$0x3FFC];
	_ =	sdelay $0x3  }
0x96: {  	_ =	strace s5  }
0x97: {  	s5 =	sld [smem:$0x3FFD];
	_ =	sdelay $0x3  }
0x98: {  	_ =	strace s5  }
0x99: {  	_ =	strace $0x8FFFFFFF  }
0x9a: {  	s20 =	sld [smem:$0x3FDB];
	_ =	sdelay $0x1  }
0x9b: {  	s6 =	simm.s32 $_scs_section_size  }
0x9c: {  	s7 =	simm.s32 $_size__tile_overlayer_lowered;
	s8 =	simm.s32 $_tile_overlayer_lowered  }
0x9d: {  	s23 =	simm.s32 $0x1BFF;
	s22 =	sshll.u32 s8, $0x1;
	s5 =	sadd.s32 s6, s20  }
0x9e: {  	s9 =	simm.s32 $0x0;
	s21 =	sshll.u32 s7, $0x1;
	s7 =	sadd.s32 s22, s5  }
0x9f: {  	[timem:s9], [sflag:s23] =	dma.local [hbm:s7], s21  }
0xa0: {  	_ =	swait.ge [sflag:s23], s21  }
0xa1: {  	s6 =	ssub.s32 $0x0, s21;
	[sflag:s23] =	ssyncset.done $0x0  }
0xa2: {  	[sflag:s23] =	ssyncadd.s32 s6;
	_ =	sdelay $0x1  }
0xa3: {  	s24 =	simm.s32 $0x1B8B  }
0xa4: {  	_ =	swait.ge [sflag:s24], $0x1  }
0xa5: {  	[sflag:s24] =	ssyncset.done $0x0  }
0xa6: {  	s25 =	simm.s32 $0x1B8E;
	[sflag:s24] =	ssyncadd.s32 $0xFFFFFFFF  }
0xa7: {  	s26 =	simm.s32 $execute0_lowered;
	[smem:$0x3FD2] =	sst s25  }
0xa8: {  	s6 =	sshll.u32 s26, $0x1;
	_ =	strace $0x80000046;
	[dreg:$0x1] =	wrdreg $0xFFFFFFFF  }
0xa9: {  	s28 =	simm.s32 $_size_execute0_lowered;
	s5 =	sadd.s32 s5, s6;
	[dreg:$0x0] =	wrdreg $0x0  }
0xaa: {  	s6 =	sshll.u32 s28, $0x1;
	[dreg:$0x2] =	wrdreg s5  }
0xab: {  	[dreg:$0x3] =	wrdreg s6  }
0xac: {  	[dreg:$0x4] =	wrdreg $0xC0  }
0xad: {  	_ =	task [dreg:s9], $0x5FFFF  }
0xae: {  	[dreg:$0x1] =	wrdreg $0xFFFFFFFF  }
0xaf: {  	[dreg:$0x0] =	wrdreg $0x60  }
0xb0: {  	[dreg:$0x2] =	wrdreg s2  }
0xb1: {  	[dreg:$0x3] =	wrdreg s19  }
0xb2: {  	[dreg:$0x4] =	wrdreg s4  }
0xb3: {  	[dreg:$0x5] =	wrdreg $0x9  }
0xb4: {  	_ =	task.clear_ibuf [dreg:s9], $0x6FFFF;
	_ =	strace $0x90000046  }
0xb5: {  	s29 =	simm.s32 $0x9;
	_ =	strace $0x80000048  }
0xb6: {  	_ =	swait.ge [sflag:s29], $0x1  }
0xb7: {  	[sflag:s29] =	ssyncadd.s32 $0xFFFFFFFF  }
0xb8: {  	_ =	strace $0x90000048  }
0xb9: {  	_ =	sfence  }
0xba: {  	s30 =	sld [smem:$0x0];
	_ =	sdelay $0x2  }
0xbb: {  	s31 =	sshll.u32 s1, $0xD;
	s1 =	sshrl.u32 s1, $0x2  }
0xbc: {  	s3 =	sand.u32 $0x4000, s31;
	s1 =	sadd.s32 s1, s30  }
0xbd: {  	s0 =	sor.u32 s3, s0;
	s1 =	sshll.u32 s1, $0x11  }
0xbe: {  	s0 =	sor.u32 s1, s0  }
0xbf: {  	s0 =	sadd.s32 $0x8F2B, s0  }
0xc0: {  	[sflag:s0] =	ssyncadd.remote.s32 $0x1  }
0xc1: {  	_ =	sfence.sel $0xFFFF  }
0xc2: {  	[dreg:$0x0] =	wrdreg $0xFFFFFFFF;
	(pc) =	sbr.abs _section_cstart, $3  }
0xc3: {  	[dreg:$0x1] =	wrdreg $0xFFFFFFFF  }
0xc4: {  	_ =	task.clear_ibuf [dreg:s9], $0x2FFFF;
	_ =	strace $0x9FFFFFFF  }
0xc5: {  	(tm) =	ssettm $0x7FFFFFFF  }
tec
execute0_lowered:
.L_overlay_start_1:
0x0: {  	(tag) =	ssettag $0x1  }
0x1: {  	s0 =	rddreg [dreg:$0x0]  }
0x2: {  	s2 =	rddreg [dreg:$0x1]  }
0x3: {  	s1 =	rddreg [dreg:$0x2]  }
0x4: {  	s4 =	srdreg.scid;
	s9 =	stileid.u32;
	s3 =	simm.s32 $0x0  }
0x5: {  	s15 =	simm.s32 $0x200;
	s29 =	simm.s32 $0x6200;
	s19 =	simm.s32 $0xA200  }
0x6: {  	s17 =	simm.s32 $0xE200;
	s23 =	simm.s32 $0x1;
	s28 =	simm.s32 $0x3  }
0x7: {  	s14 =	simm.s32 $0x4;
	s18 =	simm.s32 $0x5;
	s21 =	simm.s32 $0x6  }
0x8: {  	s22 =	simm.s32 $0x7;
	s16 =	simm.s32 $0xC;
	s20 =	simm.s32 $0x0  }
0x9: {  	s4 =	sand.u32 $0x1, s4;
	s5 =	sshll.u32 s9, $0x1;
	[smem:$0x7FF] =	sst s3  }
0xa: {  	s8 =	sshrl.u32 s9, $0x2;
	s9 =	sand.u32 $0x3, s9;
	s6 =	ssub.s32 $0x2, s4  }
0xb: {  	s5 =	sand.u32 $0x6, s5;
	_ =	strace $0x80000047;
	s10 =	sshll.u32 s8, $0x4  }
0xc: {  	s8 =	sshll.u32 s8, $0x16;
	s9 =	sshll.u32 s9, $0x14;
	s7 =	sshrl.u32 s6, $0x1  }
0xd: {  	s5 =	sor.u32 s4, s5;
	s0 =	sadd.s32 s0, s10;
	s8 =	sor.u32 s9, s8  }
0xe: {  	s4 =	sshll.u32 s4, $0x13;
	s5 =	sshll.u32 s5, $0x8;
	s24 =	ssub.s32 s6, s7  }
0xf: {  	s25 =	sor.u32 s4, s8;
	s6 =	sadd.s32 $0x200, s2;
	s7 =	sadd.s32 $0x300, s2  }
0x10: {  	s0 =	sadd.s32 s5, s0;
	s5 =	sadd.s32 $0x100, s2;
	s4 =	sor.u32 $0x8000, s25  }
0x11: {  	s8 =	sor.u32 $0xA000, s25;
	s9 =	smax.u32 s24, $0x1;
	s30 =	sor.u32 $0xE000, s25  }
0x12: {  	s31 =	sor.u32 $0xC000, s25;
	[dreg:$0x4] =	wrdreg s0;
	s4 =	sshrl.u32 s4, $0x3  }
.Ltmp0:
0x13: {  	[dreg:$0x5] =	wrdreg s9;
	s26 =	sshrl.u32 s8, $0x3;
	(pc) =	sbr.rel .LBB2_1-.Ltmp0, $4  }
0x14: {  	s0 =	sshrl.u32 s25, $0x3;
	s8 =	sshrl.u32 s31, $0x3;
	s25 =	simm.s32 $0xC200  }
0x15: {  	v0 =	vlaneseq.u32;
	s9 =	sadd.s32 s4, s1;
	s10 =	sadd.s32 s26, s1;
	s4 =	sshrl.u32 s30, $0x3  }
0x16: {  	v1 =	vshrl.u32 v0, $0x3;
	s11 =	sadd.s32 s0, s1;
	s13 =	sadd.s32 s8, s1;
	s26 =	simm.s32 $0x2  }
0x17: {  	vm0 =	vmmov $0xffff;
	v0 =	vand.u32 $0x7, v0;
	v1 =	vmul.u32 $0x8, v1;
	s12 =	sadd.s32 s4, s1;
	s1 =	simm.s32 $0x8200;
	s4 =	simm.s32 $0x8  }
.LBB2_4:
0x18: {  	s0 =	simm.s32 $0x9  }
0x19: {  	_ =	swait.ge [sflag:s0], $0x2000  }
0x1a: {  	[sflag:s0] =	ssyncset.done $0x0  }
0x1b: {  	s31 =	simm.s32 $0xA;
	[sflag:s0] =	ssyncadd.s32 $0xFFFFE000  }
0x1c: {  	_ =	swait.ge [sflag:s31], $0x2000  }
0x1d: {  	[sflag:s31] =	ssyncset.done $0x0  }
0x1e: {  	s8 =	simm.s32 $0xB;
	[sflag:s31] =	ssyncadd.s32 $0xFFFFE000  }
0x1f: {  	_ =	swait.ge [sflag:s8], $0x2000  }
0x20: {  	[sflag:s8] =	ssyncset.done $0x0  }
0x21: {  	[sflag:s8] =	ssyncadd.s32 $0xFFFFE000  }
0x22: {  	_ =	swait.ge [sflag:s16], $0x2000  }
0x23: {  	[sflag:s16] =	ssyncset.done $0x0  }
0x24: {  	s20 =	simm.s32 $0xD;
	[sflag:s16] =	ssyncadd.s32 $0xFFFFE000  }
0x25: {  	_ =	swait.ge [sflag:s20], $0x2000  }
0x26: {  	[sflag:s20] =	ssyncset.done $0x0  }
0x27: {  	s24 =	simm.s32 $0xE;
	[sflag:s20] =	ssyncadd.s32 $0xFFFFE000  }
0x28: {  	_ =	swait.ge [sflag:s24], $0x2000  }
0x29: {  	[sflag:s24] =	ssyncset.done $0x0  }
0x2a: {  	s30 =	simm.s32 $0xF;
	[sflag:s24] =	ssyncadd.s32 $0xFFFFE000  }
0x2b: {  	_ =	swait.ge [sflag:s30], $0x2000  }
0x2c: {  	[sflag:s30] =	ssyncset.done $0x0  }
0x2d: {  	s8 =	simm.s32 $0x10;
	[sflag:s30] =	ssyncadd.s32 $0xFFFFE000  }
0x2e: {  	_ =	swait.ge [sflag:s8], $0x2000  }
0x2f: {  	s20 =	rddreg [dreg:$0x6]  }
0x30: {  	s31 =	rddreg [dreg:$0x5];
	s20 =	sadd.s32 $0x1, s20  }
0x31: {  	p0 =	sne.s32 s20, s31  }
.Ltmp1:
0x32: {  	_ = 	snop;
	(pc) =	sbr.rel @!p0 .LBB2_5-.Ltmp1, $3  }
0x33: {  	_ =	sdelay $0x1  }
0x34: {  	[sflag:s8] =	ssyncset.done $0x0  }
0x35: {  	[sflag:s8] =	ssyncadd.s32 $0xFFFFE000  }
.LBB2_1:
0x36: {  	[dreg:$0x6] =	wrdreg s20  }
0x37: {  	s0 =	rddreg [dreg:$0x4];
	s8 =	simm.s32 $0x80;
	s20 =	simm.s32 $0x11  }
0x38: {  	[tilespmem:s3], [sflag:$0x11] =	stream.strided.gather [hbm4b:s0+s8], $0x200, s15, s8, $0x38;
	[tilespmem:$0x10200] =	vst v63  }
0x39: {  	_ =	swait.ge [sflag:s20], $0x200  }
0x3a: {  	[sflag:s20] =	ssyncset.done $0x0  }
0x3b: {  	[sflag:s20] =	ssyncadd.s32 $0xFFFFFE00  }
0x3c: {  	v2 =	vld.msk [tilespmem:$0x0], $0xff;
	_ =	sdelay $0x4  }
0x3d: {  	v3 =	vshll.u32 v2, $0x3  }
0x3e: {  	v2 =	vand.u32 $0x7, v2;
	v3 =	vand.u32 $0xFFFFFFC0, v3  }
0x3f: {  	v2 =	vor.u32 v2, v3  }
0x40: {  	v2 =	vperm.xlane v2, v0;
	_ =	sdelay $0x1  }
0x41: {  	v2 =	vadd.s32 v1, v2;
	_ =	sdelay $0x4  }
0x42: {  	[tilespmem:s15], [sflag:$0x1] =	stream.indirect_vreg.gather [hbm4b:s2+s3], $0x80, v2, vm0, $0xb8;
	[tilespmem:$0x10200] =	vst v63  }
0x43: {  	s24 =	simm.s32 $0xA00  }
0x44: {  	[tilespmem:s24], [sflag:$0x1] =	stream.indirect_vreg.gather [hbm4b:s5+s3], $0x80, v2, vm0, $0xb8;
	[tilespmem:$0x10200] =	vst v63  }
0x45: {  	s31 =	simm.s32 $0x1200  }
0x46: {  	[tilespmem:s31], [sflag:$0x1] =	stream.indirect_vreg.gather [hbm4b:s6+s3], $0x80, v2, vm0, $0xb8;
	[tilespmem:$0x10200] =	vst v63  }
0x47: {  	s8 =	simm.s32 $0x1A00  }
0x48: {  	[tilespmem:s8], [sflag:$0x1] =	stream.indirect_vreg.gather [hbm4b:s7+s3], $0x80, v2, vm0, $0xb8;
	[tilespmem:$0x10200] =	vst v63  }
0x49: {  	v2 =	vld.msk [tilespmem:$0x8], $0xff;
	_ =	sdelay $0x4  }
0x4a: {  	v3 =	vshll.u32 v2, $0x3  }
0x4b: {  	v2 =	vand.u32 $0x7, v2;
	v3 =	vand.u32 $0xFFFFFFC0, v3  }
0x4c: {  	v2 =	vor.u32 v2, v3  }
0x4d: {  	v2 =	vperm.xlane v2, v0;
	_ =	sdelay $0x1  }
0x4e: {  	v2 =	vadd.s32 v1, v2;
	_ =	sdelay $0x3  }
0x4f: {  	s20 =	simm.s32 $0x2200  }
0x50: {  	[tilespmem:s20], [sflag:$0x2] =	stream.indirect_vreg.gather [hbm4b:s2+s3], $0x80, v2, vm0, $0xb8;
	[tilespmem:$0x10200] =	vst v63  }
0x51: {  	s24 =	simm.s32 $0x2A00  }
0x52: {  	[tilespmem:s24], [sflag:$0x2] =	stream.indirect_vreg.gather [hbm4b:s5+s3], $0x80, v2, vm0, $0xb8;
	[tilespmem:$0x10200] =	vst v63  }
0x53: {  	s31 =	simm.s32 $0x3200  }
0x54: {  	[tilespmem:s31], [sflag:$0x2] =	stream.indirect_vreg.gather [hbm4b:s6+s3], $0x80, v2, vm0, $0xb8;
	[tilespmem:$0x10200] =	vst v63  }
0x55: {  	s8 =	simm.s32 $0x3A00  }
0x56: {  	[tilespmem:s8], [sflag:$0x2] =	stream.indirect_vreg.gather [hbm4b:s7+s3], $0x80, v2, vm0, $0xb8;
	[tilespmem:$0x10200] =	vst v63  }
0x57: {  	v2 =	vld.msk [tilespmem:$0x10], $0xff;
	_ =	sdelay $0x4  }
0x58: {  	v3 =	vshll.u32 v2, $0x3  }
0x59: {  	v2 =	vand.u32 $0x7, v2;
	v3 =	vand.u32 $0xFFFFFFC0, v3  }
0x5a: {  	v2 =	vor.u32 v2, v3  }
0x5b: {  	v2 =	vperm.xlane v2, v0;
	_ =	sdelay $0x1  }
0x5c: {  	v2 =	vadd.s32 v1, v2;
	_ =	sdelay $0x3  }
0x5d: {  	s20 =	simm.s32 $0x4200  }
0x5e: {  	[tilespmem:s20], [sflag:$0x3] =	stream.indirect_vreg.gather [hbm4b:s2+s3], $0x80, v2, vm0, $0xb8;
	[tilespmem:$0x10200] =	vst v63  }
0x5f: {  	s24 =	simm.s32 $0x4A00  }
0x60: {  	[tilespmem:s24], [sflag:$0x3] =	stream.indirect_vreg.gather [hbm4b:s5+s3], $0x80, v2, vm0, $0xb8;
	[tilespmem:$0x10200] =	vst v63  }
0x61: {  	s31 =	simm.s32 $0x5200  }
0x62: {  	[tilespmem:s31], [sflag:$0x3] =	stream.indirect_vreg.gather [hbm4b:s6+s3], $0x80, v2, vm0, $0xb8;
	[tilespmem:$0x10200] =	vst v63  }
0x63: {  	s8 =	simm.s32 $0x5A00  }
0x64: {  	[tilespmem:s8], [sflag:$0x3] =	stream.indirect_vreg.gather [hbm4b:s7+s3], $0x80, v2, vm0, $0xb8;
	[tilespmem:$0x10200] =	vst v63  }
0x65: {  	v2 =	vld.msk [tilespmem:$0x18], $0xff;
	_ =	sdelay $0x4  }
0x66: {  	v3 =	vshll.u32 v2, $0x3  }
0x67: {  	v2 =	vand.u32 $0x7, v2;
	v3 =	vand.u32 $0xFFFFFFC0, v3  }
0x68: {  	v2 =	vor.u32 v2, v3  }
0x69: {  	v2 =	vperm.xlane v2, v0;
	_ =	sdelay $0x1  }
0x6a: {  	v2 =	vadd.s32 v1, v2;
	_ =	sdelay $0x4  }
0x6b: {  	[tilespmem:s29], [sflag:$0x4] =	stream.indirect_vreg.gather [hbm4b:s2+s3], $0x80, v2, vm0, $0xb8;
	[tilespmem:$0x10200] =	vst v63  }
0x6c: {  	s20 =	simm.s32 $0x6A00  }
0x6d: {  	[tilespmem:s20], [sflag:$0x4] =	stream.indirect_vreg.gather [hbm4b:s5+s3], $0x80, v2, vm0, $0xb8;
	[tilespmem:$0x10200] =	vst v63  }
0x6e: {  	s24 =	simm.s32 $0x7200  }
0x6f: {  	[tilespmem:s24], [sflag:$0x4] =	stream.indirect_vreg.gather [hbm4b:s6+s3], $0x80, v2, vm0, $0xb8;
	[tilespmem:$0x10200] =	vst v63  }
0x70: {  	s31 =	simm.s32 $0x7A00  }
0x71: {  	[tilespmem:s31], [sflag:$0x4] =	stream.indirect_vreg.gather [hbm4b:s7+s3], $0x80, v2, vm0, $0xb8;
	[tilespmem:$0x10200] =	vst v63  }
0x72: {  	v2 =	vld.msk [tilespmem:$0x20], $0xff;
	_ =	sdelay $0x4  }
0x73: {  	v3 =	vshll.u32 v2, $0x3  }
0x74: {  	v2 =	vand.u32 $0x7, v2;
	v3 =	vand.u32 $0xFFFFFFC0, v3  }
0x75: {  	v2 =	vor.u32 v2, v3  }
0x76: {  	v2 =	vperm.xlane v2, v0;
	_ =	sdelay $0x1  }
0x77: {  	v2 =	vadd.s32 v1, v2;
	_ =	sdelay $0x4  }
0x78: {  	[tilespmem:s1], [sflag:$0x5] =	stream.indirect_vreg.gather [hbm4b:s2+s3], $0x80, v2, vm0, $0xb8;
	[tilespmem:$0x10200] =	vst v63  }
0x79: {  	s8 =	simm.s32 $0x8A00  }
0x7a: {  	[tilespmem:s8], [sflag:$0x5] =	stream.indirect_vreg.gather [hbm4b:s5+s3], $0x80, v2, vm0, $0xb8;
	[tilespmem:$0x10200] =	vst v63  }
0x7b: {  	s20 =	simm.s32 $0x9200  }
0x7c: {  	[tilespmem:s20], [sflag:$0x5] =	stream.indirect_vreg.gather [hbm4b:s6+s3], $0x80, v2, vm0, $0xb8;
	[tilespmem:$0x10200] =	vst v63  }
0x7d: {  	s24 =	simm.s32 $0x9A00  }
0x7e: {  	[tilespmem:s24], [sflag:$0x5] =	stream.indirect_vreg.gather [hbm4b:s7+s3], $0x80, v2, vm0, $0xb8;
	[tilespmem:$0x10200] =	vst v63  }
0x7f: {  	v2 =	vld.msk [tilespmem:$0x28], $0xff;
	_ =	sdelay $0x4  }
0x80: {  	v3 =	vshll.u32 v2, $0x3  }
0x81: {  	v2 =	vand.u32 $0x7, v2;
	v3 =	vand.u32 $0xFFFFFFC0, v3  }
0x82: {  	v2 =	vor.u32 v2, v3  }
0x83: {  	v2 =	vperm.xlane v2, v0;
	_ =	sdelay $0x1  }
0x84: {  	v2 =	vadd.s32 v1, v2;
	_ =	sdelay $0x4  }
0x85: {  	[tilespmem:s19], [sflag:$0x6] =	stream.indirect_vreg.gather [hbm4b:s2+s3], $0x80, v2, vm0, $0xb8;
	[tilespmem:$0x10200] =	vst v63  }
0x86: {  	s31 =	simm.s32 $0xAA00  }
0x87: {  	[tilespmem:s31], [sflag:$0x6] =	stream.indirect_vreg.gather [hbm4b:s5+s3], $0x80, v2, vm0, $0xb8;
	[tilespmem:$0x10200] =	vst v63  }
0x88: {  	s8 =	simm.s32 $0xB200  }
0x89: {  	[tilespmem:s8], [sflag:$0x6] =	stream.indirect_vreg.gather [hbm4b:s6+s3], $0x80, v2, vm0, $0xb8;
	[tilespmem:$0x10200] =	vst v63  }
0x8a: {  	s20 =	simm.s32 $0xBA00  }
0x8b: {  	[tilespmem:s20], [sflag:$0x6] =	stream.indirect_vreg.gather [hbm4b:s7+s3], $0x80, v2, vm0, $0xb8;
	[tilespmem:$0x10200] =	vst v63  }
0x8c: {  	v2 =	vld.msk [tilespmem:$0x30], $0xff;
	_ =	sdelay $0x4  }
0x8d: {  	v3 =	vshll.u32 v2, $0x3  }
0x8e: {  	v2 =	vand.u32 $0x7, v2;
	v3 =	vand.u32 $0xFFFFFFC0, v3  }
0x8f: {  	v2 =	vor.u32 v2, v3  }
0x90: {  	v2 =	vperm.xlane v2, v0;
	_ =	sdelay $0x1  }
0x91: {  	v2 =	vadd.s32 v1, v2;
	_ =	sdelay $0x4  }
0x92: {  	[tilespmem:s25], [sflag:$0x7] =	stream.indirect_vreg.gather [hbm4b:s2+s3], $0x80, v2, vm0, $0xb8;
	[tilespmem:$0x10200] =	vst v63  }
0x93: {  	s24 =	simm.s32 $0xCA00  }
0x94: {  	[tilespmem:s24], [sflag:$0x7] =	stream.indirect_vreg.gather [hbm4b:s5+s3], $0x80, v2, vm0, $0xb8;
	[tilespmem:$0x10200] =	vst v63  }
0x95: {  	s31 =	simm.s32 $0xD200  }
0x96: {  	[tilespmem:s31], [sflag:$0x7] =	stream.indirect_vreg.gather [hbm4b:s6+s3], $0x80, v2, vm0, $0xb8;
	[tilespmem:$0x10200] =	vst v63  }
0x97: {  	s8 =	simm.s32 $0xDA00  }
0x98: {  	[tilespmem:s8], [sflag:$0x7] =	stream.indirect_vreg.gather [hbm4b:s7+s3], $0x80, v2, vm0, $0xb8;
	[tilespmem:$0x10200] =	vst v63  }
0x99: {  	v2 =	vld.msk [tilespmem:$0x38], $0xff;
	_ =	sdelay $0x4  }
0x9a: {  	v3 =	vshll.u32 v2, $0x3  }
0x9b: {  	v2 =	vand.u32 $0x7, v2;
	v3 =	vand.u32 $0xFFFFFFC0, v3  }
0x9c: {  	v2 =	vor.u32 v2, v3  }
0x9d: {  	v2 =	vperm.xlane v2, v0;
	_ =	sdelay $0x1  }
0x9e: {  	v2 =	vadd.s32 v1, v2;
	_ =	sdelay $0x4  }
0x9f: {  	[tilespmem:s17], [sflag:$0x8] =	stream.indirect_vreg.gather [hbm4b:s2+s3], $0x80, v2, vm0, $0xb8;
	[tilespmem:$0x10200] =	vst v63  }
0xa0: {  	s20 =	simm.s32 $0xEA00  }
0xa1: {  	[tilespmem:s20], [sflag:$0x8] =	stream.indirect_vreg.gather [hbm4b:s5+s3], $0x80, v2, vm0, $0xb8;
	[tilespmem:$0x10200] =	vst v63  }
0xa2: {  	s24 =	simm.s32 $0xF200  }
0xa3: {  	[tilespmem:s24], [sflag:$0x8] =	stream.indirect_vreg.gather [hbm4b:s6+s3], $0x80, v2, vm0, $0xb8;
	[tilespmem:$0x10200] =	vst v63  }
0xa4: {  	s30 =	simm.s32 $0x0;
	s31 =	simm.s32 $0xFA00;
	s8 =	simm.s32 $0x30  }
0xa5: {  	[tilespmem:s31], [sflag:$0x8] =	stream.indirect_vreg.gather [hbm4b:s7+s3], $0x80, v2, vm0, $0xb8;
	[tilespmem:$0x10200] =	vst v63  }
.LBB2_2:
0xa6: {  	_ =	swait.ge [sflag:s23], $0x2000  }
0xa7: {  	p0 =	seq.s32 s30, $0x0;
	[sflag:s23] =	ssyncset.done $0x0  }
0xa8: {  	s0 =	sadd.s32 s30, s11;
	s31 =	simm.s32 @!p0 $0xD;
	[sflag:s23] =	ssyncadd.s32 $0xFFFFE000  }
0xa9: {  	[hbm4b:s0+s3] =	stream.linear.scatter [tilespmem:s15], [sflag:$0x9], $0x2000, $0x38;
	[tilespmem:$0x10200] =	vst v63  }
0xaa: {  	_ =	swait.ge @!p0 [sflag:s31], $0x2000  }
0xab: {  	[sflag:s31] =	ssyncset.done @!p0 $0x0  }
0xac: {  	[sflag:s31] =	ssyncadd.s32 @!p0 $0xFFFFE000  }
0xad: {  	v2 =	vld.msk @!p0 [tilespmem:s8+$0xFFFFFFF0], $0xff;
	_ =	sdelay $0x4  }
0xae: {  	v3 =	vshll.u32 @!p0 v2, $0x3  }
0xaf: {  	v4 =	vlaneseq.u32 @!p0;
	v2 =	vand.u32 @!p0 $0x7, v2;
	v3 =	vand.u32 @!p0 $0xFFFFFFC0, v3  }
0xb0: {  	v2 =	vor.u32 @!p0 v2, v3;
	v3 =	vand.u32 @!p0 $0x7, v4;
	v4 =	vshrl.u32 @!p0 v4, $0x3  }
0xb1: {  	v2 =	vperm.xlane @!p0 v2, v3;
	v4 =	vmul.u32 @!p0 $0x8, v4;
	_ =	sdelay $0x1  }
0xb2: {  	v2 =	vadd.s32 @!p0 v4, v2;
	_ =	sdelay $0x3  }
0xb3: {  	vm1 =	vmmov @!p0 $0xffff;
	s20 =	simm.s32 @!p0 $0x8200;
	s31 =	simm.s32 @!p0 $0x0  }
0xb4: {  	[tilespmem:s20], [sflag:$0x5] =	stream.indirect_vreg.gather @!p0 [hbm4b:s2+s31], $0x80, v2, vm1, $0xb8;
	[tilespmem:$0x10200] =	vst v63  }
0xb5: {  	s20 =	simm.s32 @!p0 $0x8A00  }
0xb6: {  	[tilespmem:s20], [sflag:$0x5] =	stream.indirect_vreg.gather @!p0 [hbm4b:s5+s31], $0x80, v2, vm1, $0xb8;
	[tilespmem:$0x10200] =	vst v63  }
0xb7: {  	s20 =	simm.s32 @!p0 $0x9200  }
0xb8: {  	[tilespmem:s20], [sflag:$0x5] =	stream.indirect_vreg.gather @!p0 [hbm4b:s6+s31], $0x80, v2, vm1, $0xb8;
	[tilespmem:$0x10200] =	vst v63  }
0xb9: {  	s20 =	simm.s32 @!p0 $0x9A00  }
0xba: {  	[tilespmem:s20], [sflag:$0x5] =	stream.indirect_vreg.gather @!p0 [hbm4b:s7+s31], $0x80, v2, vm1, $0xb8;
	[tilespmem:$0x10200] =	vst v63  }
0xbb: {  	_ =	swait.ge [sflag:s26], $0x2000  }
0xbc: {  	[sflag:s26] =	ssyncset.done $0x0  }
0xbd: {  	s24 =	simm.s32 $0x2200;
	s20 =	sadd.s32 $0x400, s0;
	[sflag:s26] =	ssyncadd.s32 $0xFFFFE000  }
0xbe: {  	[hbm4b:s20+s3] =	stream.linear.scatter [tilespmem:s24], [sflag:$0xA], $0x2000, $0x38;
	[tilespmem:$0x10200] =	vst v63  }
0xbf: {  	s20 =	simm.s32 @!p0 $0xE  }
0xc0: {  	_ =	swait.ge @!p0 [sflag:s20], $0x2000  }
0xc1: {  	[sflag:s20] =	ssyncset.done @!p0 $0x0  }
0xc2: {  	[sflag:s20] =	ssyncadd.s32 @!p0 $0xFFFFE000  }
0xc3: {  	v2 =	vld.msk @!p0 [tilespmem:s8+$0xFFFFFFF8], $0xff;
	_ =	sdelay $0x4  }
0xc4: {  	v5 =	vshll.u32 @!p0 v2, $0x3  }
0xc5: {  	v2 =	vand.u32 @!p0 $0x7, v2;
	v5 =	vand.u32 @!p0 $0xFFFFFFC0, v5  }
0xc6: {  	v2 =	vor.u32 @!p0 v2, v5  }
0xc7: {  	v2 =	vperm.xlane @!p0 v2, v3;
	_ =	sdelay $0x1  }
0xc8: {  	v2 =	vadd.s32 @!p0 v4, v2;
	_ =	sdelay $0x3  }
0xc9: {  	s20 =	simm.s32 @!p0 $0xA200  }
0xca: {  	[tilespmem:s20], [sflag:$0x6] =	stream.indirect_vreg.gather @!p0 [hbm4b:s2+s31], $0x80, v2, vm1, $0xb8;
	[tilespmem:$0x10200] =	vst v63  }
0xcb: {  	s20 =	simm.s32 @!p0 $0xAA00  }
0xcc: {  	[tilespmem:s20], [sflag:$0x6] =	stream.indirect_vreg.gather @!p0 [hbm4b:s5+s31], $0x80, v2, vm1, $0xb8;
	[tilespmem:$0x10200] =	vst v63  }
0xcd: {  	s20 =	simm.s32 @!p0 $0xB200  }
0xce: {  	[tilespmem:s20], [sflag:$0x6] =	stream.indirect_vreg.gather @!p0 [hbm4b:s6+s31], $0x80, v2, vm1, $0xb8;
	[tilespmem:$0x10200] =	vst v63  }
0xcf: {  	s20 =	simm.s32 @!p0 $0xBA00  }
0xd0: {  	[tilespmem:s20], [sflag:$0x6] =	stream.indirect_vreg.gather @!p0 [hbm4b:s7+s31], $0x80, v2, vm1, $0xb8;
	[tilespmem:$0x10200] =	vst v63  }
0xd1: {  	_ =	swait.ge [sflag:s28], $0x2000  }
0xd2: {  	[sflag:s28] =	ssyncset.done $0x0  }
0xd3: {  	s24 =	simm.s32 $0x4200;
	s20 =	sadd.s32 $0x800, s0;
	[sflag:s28] =	ssyncadd.s32 $0xFFFFE000  }
0xd4: {  	[hbm4b:s20+s3] =	stream.linear.scatter [tilespmem:s24], [sflag:$0xB], $0x2000, $0x38;
	[tilespmem:$0x10200] =	vst v63  }
0xd5: {  	s20 =	simm.s32 @!p0 $0xF  }
0xd6: {  	_ =	swait.ge @!p0 [sflag:s20], $0x2000  }
0xd7: {  	[sflag:s20] =	ssyncset.done @!p0 $0x0  }
0xd8: {  	[sflag:s20] =	ssyncadd.s32 @!p0 $0xFFFFE000  }
0xd9: {  	v2 =	vld.msk @!p0 [tilespmem:s8+$0x0], $0xff;
	_ =	sdelay $0x4  }
0xda: {  	v5 =	vshll.u32 @!p0 v2, $0x3  }
0xdb: {  	v2 =	vand.u32 @!p0 $0x7, v2;
	v5 =	vand.u32 @!p0 $0xFFFFFFC0, v5  }
0xdc: {  	v2 =	vor.u32 @!p0 v2, v5  }
0xdd: {  	v2 =	vperm.xlane @!p0 v2, v3;
	_ =	sdelay $0x1  }
0xde: {  	v2 =	vadd.s32 @!p0 v4, v2;
	_ =	sdelay $0x3  }
0xdf: {  	s20 =	simm.s32 @!p0 $0xC200  }
0xe0: {  	[tilespmem:s20], [sflag:$0x7] =	stream.indirect_vreg.gather @!p0 [hbm4b:s2+s31], $0x80, v2, vm1, $0xb8;
	[tilespmem:$0x10200] =	vst v63  }
0xe1: {  	s20 =	simm.s32 @!p0 $0xCA00  }
0xe2: {  	[tilespmem:s20], [sflag:$0x7] =	stream.indirect_vreg.gather @!p0 [hbm4b:s5+s31], $0x80, v2, vm1, $0xb8;
	[tilespmem:$0x10200] =	vst v63  }
0xe3: {  	s20 =	simm.s32 @!p0 $0xD200  }
0xe4: {  	[tilespmem:s20], [sflag:$0x7] =	stream.indirect_vreg.gather @!p0 [hbm4b:s6+s31], $0x80, v2, vm1, $0xb8;
	[tilespmem:$0x10200] =	vst v63  }
0xe5: {  	s20 =	simm.s32 @!p0 $0xDA00  }
0xe6: {  	[tilespmem:s20], [sflag:$0x7] =	stream.indirect_vreg.gather @!p0 [hbm4b:s7+s31], $0x80, v2, vm1, $0xb8;
	[tilespmem:$0x10200] =	vst v63  }
0xe7: {  	_ =	swait.ge [sflag:s14], $0x2000  }
0xe8: {  	[sflag:s14] =	ssyncset.done $0x0  }
0xe9: {  	s0 =	sadd.s32 $0xC00, s0;
	[sflag:s14] =	ssyncadd.s32 $0xFFFFE000  }
0xea: {  	[hbm4b:s0+s3] =	stream.linear.scatter [tilespmem:s29], [sflag:$0xC], $0x2000, $0x38;
	[tilespmem:$0x10200] =	vst v63  }
0xeb: {  	s0 =	simm.s32 @!p0 $0x10  }
0xec: {  	_ =	swait.ge @!p0 [sflag:s0], $0x2000  }
0xed: {  	[sflag:s0] =	ssyncset.done @!p0 $0x0  }
0xee: {  	[sflag:s0] =	ssyncadd.s32 @!p0 $0xFFFFE000  }
0xef: {  	v2 =	vld.msk @!p0 [tilespmem:s8+$0x8], $0xff;
	_ =	sdelay $0x4  }
0xf0: {  	v5 =	vshll.u32 @!p0 v2, $0x3  }
0xf1: {  	v2 =	vand.u32 @!p0 $0x7, v2;
	v5 =	vand.u32 @!p0 $0xFFFFFFC0, v5  }
0xf2: {  	v2 =	vor.u32 @!p0 v2, v5  }
0xf3: {  	v2 =	vperm.xlane @!p0 v2, v3;
	_ =	sdelay $0x1  }
0xf4: {  	v2 =	vadd.s32 @!p0 v4, v2;
	_ =	sdelay $0x3  }
0xf5: {  	s0 =	simm.s32 @!p0 $0xE200  }
0xf6: {  	[tilespmem:s0], [sflag:$0x8] =	stream.indirect_vreg.gather @!p0 [hbm4b:s2+s31], $0x80, v2, vm1, $0xb8;
	[tilespmem:$0x10200] =	vst v63  }
0xf7: {  	s0 =	simm.s32 @!p0 $0xEA00  }
0xf8: {  	[tilespmem:s0], [sflag:$0x8] =	stream.indirect_vreg.gather @!p0 [hbm4b:s5+s31], $0x80, v2, vm1, $0xb8;
	[tilespmem:$0x10200] =	vst v63  }
0xf9: {  	s0 =	simm.s32 @!p0 $0xF200  }
0xfa: {  	[tilespmem:s0], [sflag:$0x8] =	stream.indirect_vreg.gather @!p0 [hbm4b:s6+s31], $0x80, v2, vm1, $0xb8;
	[tilespmem:$0x10200] =	vst v63  }
0xfb: {  	s0 =	simm.s32 @!p0 $0xFA00  }
0xfc: {  	[tilespmem:s0], [sflag:$0x8] =	stream.indirect_vreg.gather @!p0 [hbm4b:s7+s31], $0x80, v2, vm1, $0xb8;
	[tilespmem:$0x10200] =	vst v63  }
0xfd: {  	_ =	swait.ge [sflag:s18], $0x2000  }
0xfe: {  	p0 =	seq.s32 s30, $0xE000;
	[sflag:s18] =	ssyncset.done $0x0  }
0xff: {  	s24 =	sadd.s32 s30, s9;
	s0 =	simm.s32 @!p0 $0x9;
	[sflag:s18] =	ssyncadd.s32 $0xFFFFE000  }
0x100: {  	[hbm4b:s24+s3] =	stream.linear.scatter [tilespmem:s1], [sflag:$0xD], $0x2000, $0x38;
	[tilespmem:$0x10200] =	vst v63  }
0x101: {  	_ =	swait.ge @!p0 [sflag:s0], $0x2000  }
0x102: {  	[sflag:s0] =	ssyncset.done @!p0 $0x0  }
0x103: {  	[sflag:s0] =	ssyncadd.s32 @!p0 $0xFFFFE000  }
0x104: {  	v2 =	vld.msk @!p0 [tilespmem:s8+$0x10], $0xff;
	_ =	sdelay $0x4  }
0x105: {  	v3 =	vshll.u32 @!p0 v2, $0x3  }
0x106: {  	v4 =	vlaneseq.u32 @!p0;
	v2 =	vand.u32 @!p0 $0x7, v2;
	v3 =	vand.u32 @!p0 $0xFFFFFFC0, v3  }
0x107: {  	v2 =	vor.u32 @!p0 v2, v3;
	v3 =	vand.u32 @!p0 $0x7, v4;
	v4 =	vshrl.u32 @!p0 v4, $0x3  }
0x108: {  	v2 =	vperm.xlane @!p0 v2, v3;
	v4 =	vmul.u32 @!p0 $0x8, v4;
	_ =	sdelay $0x1  }
0x109: {  	v2 =	vadd.s32 @!p0 v4, v2;
	_ =	sdelay $0x3  }
0x10a: {  	vm1 =	vmmov @!p0 $0xffff;
	s20 =	simm.s32 @!p0 $0x200;
	s0 =	simm.s32 @!p0 $0x0  }
0x10b: {  	[tilespmem:s20], [sflag:$0x1] =	stream.indirect_vreg.gather @!p0 [hbm4b:s2+s0], $0x80, v2, vm1, $0xb8;
	[tilespmem:$0x10200] =	vst v63  }
0x10c: {  	s20 =	simm.s32 @!p0 $0xA00  }
0x10d: {  	[tilespmem:s20], [sflag:$0x1] =	stream.indirect_vreg.gather @!p0 [hbm4b:s5+s0], $0x80, v2, vm1, $0xb8;
	[tilespmem:$0x10200] =	vst v63  }
0x10e: {  	s20 =	simm.s32 @!p0 $0x1200  }
0x10f: {  	[tilespmem:s20], [sflag:$0x1] =	stream.indirect_vreg.gather @!p0 [hbm4b:s6+s0], $0x80, v2, vm1, $0xb8;
	[tilespmem:$0x10200] =	vst v63  }
0x110: {  	s20 =	simm.s32 @!p0 $0x1A00  }
0x111: {  	[tilespmem:s20], [sflag:$0x1] =	stream.indirect_vreg.gather @!p0 [hbm4b:s7+s0], $0x80, v2, vm1, $0xb8;
	[tilespmem:$0x10200] =	vst v63  }
0x112: {  	_ =	swait.ge [sflag:s21], $0x2000  }
0x113: {  	[sflag:s21] =	ssyncset.done $0x0  }
0x114: {  	s31 =	sadd.s32 s30, s10;
	s20 =	simm.s32 @!p0 $0xA;
	[sflag:s21] =	ssyncadd.s32 $0xFFFFE000  }
0x115: {  	[hbm4b:s31+s3] =	stream.linear.scatter [tilespmem:s19], [sflag:$0xE], $0x2000, $0x38;
	[tilespmem:$0x10200] =	vst v63  }
0x116: {  	_ =	swait.ge @!p0 [sflag:s20], $0x2000  }
0x117: {  	[sflag:s20] =	ssyncset.done @!p0 $0x0  }
0x118: {  	[sflag:s20] =	ssyncadd.s32 @!p0 $0xFFFFE000  }
0x119: {  	v2 =	vld.msk @!p0 [tilespmem:s8+$0x18], $0xff;
	_ =	sdelay $0x4  }
0x11a: {  	v5 =	vshll.u32 @!p0 v2, $0x3  }
0x11b: {  	v2 =	vand.u32 @!p0 $0x7, v2;
	v5 =	vand.u32 @!p0 $0xFFFFFFC0, v5  }
0x11c: {  	v2 =	vor.u32 @!p0 v2, v5  }
0x11d: {  	v2 =	vperm.xlane @!p0 v2, v3;
	_ =	sdelay $0x1  }
0x11e: {  	v2 =	vadd.s32 @!p0 v4, v2;
	_ =	sdelay $0x3  }
0x11f: {  	s20 =	simm.s32 @!p0 $0x2200  }
0x120: {  	[tilespmem:s20], [sflag:$0x2] =	stream.indirect_vreg.gather @!p0 [hbm4b:s2+s0], $0x80, v2, vm1, $0xb8;
	[tilespmem:$0x10200] =	vst v63  }
0x121: {  	s20 =	simm.s32 @!p0 $0x2A00  }
0x122: {  	[tilespmem:s20], [sflag:$0x2] =	stream.indirect_vreg.gather @!p0 [hbm4b:s5+s0], $0x80, v2, vm1, $0xb8;
	[tilespmem:$0x10200] =	vst v63  }
0x123: {  	s20 =	simm.s32 @!p0 $0x3200  }
0x124: {  	[tilespmem:s20], [sflag:$0x2] =	stream.indirect_vreg.gather @!p0 [hbm4b:s6+s0], $0x80, v2, vm1, $0xb8;
	[tilespmem:$0x10200] =	vst v63  }
0x125: {  	s20 =	simm.s32 @!p0 $0x3A00  }
0x126: {  	[tilespmem:s20], [sflag:$0x2] =	stream.indirect_vreg.gather @!p0 [hbm4b:s7+s0], $0x80, v2, vm1, $0xb8;
	[tilespmem:$0x10200] =	vst v63  }
0x127: {  	_ =	swait.ge [sflag:s22], $0x2000  }
0x128: {  	[sflag:s22] =	ssyncset.done $0x0  }
0x129: {  	s24 =	sadd.s32 s30, s13;
	s20 =	simm.s32 @!p0 $0xB;
	[sflag:s22] =	ssyncadd.s32 $0xFFFFE000  }
0x12a: {  	[hbm4b:s24+s3] =	stream.linear.scatter [tilespmem:s25], [sflag:$0xF], $0x2000, $0x38;
	[tilespmem:$0x10200] =	vst v63  }
0x12b: {  	_ =	swait.ge @!p0 [sflag:s20], $0x2000  }
0x12c: {  	[sflag:s20] =	ssyncset.done @!p0 $0x0  }
0x12d: {  	[sflag:s20] =	ssyncadd.s32 @!p0 $0xFFFFE000  }
0x12e: {  	v2 =	vld.msk @!p0 [tilespmem:s8+$0x20], $0xff;
	_ =	sdelay $0x4  }
0x12f: {  	v5 =	vshll.u32 @!p0 v2, $0x3  }
0x130: {  	v2 =	vand.u32 @!p0 $0x7, v2;
	v5 =	vand.u32 @!p0 $0xFFFFFFC0, v5  }
0x131: {  	v2 =	vor.u32 @!p0 v2, v5  }
0x132: {  	v2 =	vperm.xlane @!p0 v2, v3;
	_ =	sdelay $0x1  }
0x133: {  	v2 =	vadd.s32 @!p0 v4, v2;
	_ =	sdelay $0x3  }
0x134: {  	s20 =	simm.s32 @!p0 $0x4200  }
0x135: {  	[tilespmem:s20], [sflag:$0x3] =	stream.indirect_vreg.gather @!p0 [hbm4b:s2+s0], $0x80, v2, vm1, $0xb8;
	[tilespmem:$0x10200] =	vst v63  }
0x136: {  	s20 =	simm.s32 @!p0 $0x4A00  }
0x137: {  	[tilespmem:s20], [sflag:$0x3] =	stream.indirect_vreg.gather @!p0 [hbm4b:s5+s0], $0x80, v2, vm1, $0xb8;
	[tilespmem:$0x10200] =	vst v63  }
0x138: {  	s20 =	simm.s32 @!p0 $0x5200  }
0x139: {  	[tilespmem:s20], [sflag:$0x3] =	stream.indirect_vreg.gather @!p0 [hbm4b:s6+s0], $0x80, v2, vm1, $0xb8;
	[tilespmem:$0x10200] =	vst v63  }
0x13a: {  	s20 =	simm.s32 @!p0 $0x5A00  }
0x13b: {  	[tilespmem:s20], [sflag:$0x3] =	stream.indirect_vreg.gather @!p0 [hbm4b:s7+s0], $0x80, v2, vm1, $0xb8;
	[tilespmem:$0x10200] =	vst v63  }
.Ltmp2:
0x13c: {  	_ = 	snop;
	(pc) =	sbr.rel @p0 .LBB2_4-.Ltmp2, $4  }
0x13d: {  	_ =	swait.ge [sflag:s4], $0x2000  }
0x13e: {  	[sflag:s4] =	ssyncset.done $0x0  }
0x13f: {  	s31 =	sadd.s32 s30, s12;
	[sflag:s4] =	ssyncadd.s32 $0xFFFFE000  }
0x140: {  	[hbm4b:s31+s3] =	stream.linear.scatter [tilespmem:s17], [sflag:$0x10], $0x2000, $0x38;
	[tilespmem:$0x10200] =	vst v63  }
0x141: {  	_ =	swait.ge [sflag:s16], $0x2000  }
0x142: {  	[sflag:s16] =	ssyncset.done $0x0  }
0x143: {  	[sflag:s16] =	ssyncadd.s32 $0xFFFFE000  }
0x144: {  	v2 =	vld.msk [tilespmem:s8+$0x28], $0xff;
	_ =	sdelay $0x4  }
0x145: {  	v3 =	vshll.u32 v2, $0x3  }
0x146: {  	v2 =	vand.u32 $0x7, v2;
	v3 =	vand.u32 $0xFFFFFFC0, v3  }
0x147: {  	v2 =	vor.u32 v2, v3  }
0x148: {  	v2 =	vperm.xlane v2, v0;
	_ =	sdelay $0x1  }
0x149: {  	v2 =	vadd.s32 v1, v2;
	_ =	sdelay $0x4  }
0x14a: {  	[tilespmem:s29], [sflag:$0x4] =	stream.indirect_vreg.gather [hbm4b:s2+s3], $0x80, v2, vm0, $0xb8;
	[tilespmem:$0x10200] =	vst v63  }
0x14b: {  	s0 =	simm.s32 $0x6A00  }
0x14c: {  	[tilespmem:s0], [sflag:$0x4] =	stream.indirect_vreg.gather [hbm4b:s5+s3], $0x80, v2, vm0, $0xb8;
	[tilespmem:$0x10200] =	vst v63  }
.Ltmp3:
0x14d: {  	_ = 	snop;
	(pc) =	sbr.rel .LBB2_2-.Ltmp3, $4  }
0x14e: {  	s24 =	simm.s32 $0x7200  }
0x14f: {  	[tilespmem:s24], [sflag:$0x4] =	stream.indirect_vreg.gather [hbm4b:s6+s3], $0x80, v2, vm0, $0xb8;
	[tilespmem:$0x10200] =	vst v63  }
0x150: {  	s31 =	simm.s32 $0x7A00;
	s30 =	sadd.s32 $0x2000, s30;
	s8 =	sadd.s32 $0x40, s8  }
0x151: {  	[tilespmem:s31], [sflag:$0x4] =	stream.indirect_vreg.gather [hbm4b:s7+s3], $0x80, v2, vm0, $0xb8;
	[tilespmem:$0x10200] =	vst v63  }
.LBB2_5:
0x152: {  	_ =	sfence.sel $0x180000  }
0x153: {  	[bflag:$0x0] =	sbarrier.arrive $0xFFFF  }
0x154: {  	_ =	strace $0x90000047  }
0x155: {  	s0 =	stileid.u32;
	[bflag:$0x2] =	sbarrier.arrive $0xFFFF  }
0x156: {  	p0 =	sne.s32 s0, $0x0;
	s0 =	rddreg [dreg:$0x3]  }
0x157: {  	s0 =	sadd.s32 @!p0 $0x100000, s0  }
0x158: {  	[sflag:s0] =	ssyncadd.tile.s32 @!p0 $0x1;
	_ =	shalt  }
.Lfunc_end2:
_tile_overlayer_lowered:
.L_overlay_start_2:
0x159: {  	(tag) =	ssettag $0x2  }
0x15a: {  	s0 =	rddreg [dreg:$0x0];
	s2 =	stileid.u32  }
0x15b: {  	s1 =	rddreg [dreg:$0x1];
	p0 =	sne.s32 s2, $0x0  }
0x15c: {  	s3 =	rddreg [dreg:$0x2];
	[bflag:$0x3] =	sbarrier.arrive $0xFFFF;
	s2 =	simm.s32 @!p0 $0x1C11  }
0x15d: {  	[timem:s3], [sflag:s2] =	dma.local @!p0 [hbm:s0], s1  }
0x15e: {  	s0 =	simm.s32 @!p0 $0x11  }
0x15f: {  	_ =	swait.ge @!p0 [sflag:s0], s1  }
0x160: {  	s1 =	ssub.s32 @!p0 $0x0, s1;
	[sflag:s0] =	ssyncset.done @!p0 $0x0  }
0x161: {  	[sflag:s0] =	ssyncadd.s32 @!p0 s1  }
0x162: {  	[bflag:$0x3] =	sbarrier.arrive $0xFFFF  }
0x163: {  	_ =	shalt  }

</sc_bundles>
